<compile_context>
chip_gen: v7x
topology: tpu7x:2x2x1
jax: 0.10.2.dev20260603
libtpu: 0.0.44.dev20260713+nightly
codegen_flags: <defaults>
</compile_context>

<pallas_src>
import functools

import jax
import jax.numpy as jnp
from jax import lax
from jax.experimental import pallas as pl
from jax.experimental.pallas import tpu as pltpu
from jax.experimental.pallas import tpu_sc as plsc

N = 10000
E = 320000
D_IN = 128
H1 = 256
H2 = 32
C = 40

NP = 10240
CB = 128
NC = 2
NS = 16
NW = NC * NS
KPT = 80
NCH = NW * KPT
EP = NCH * CB
RPT = NP // NS
RB = 512


def _mesh():
    return plsc.VectorSubcoreMesh(core_axis_name="c", subcore_axis_name="s")


def _sc_degree(dst_r, zeros_hbm, ones_hbm):

    @functools.partial(
        pl.kernel,
        out_type=jax.ShapeDtypeStruct((NC, NP, 16), jnp.float32),
        mesh=_mesh(),
        scratch_types=[
            pltpu.VMEM((CB,), jnp.int32),
            pltpu.VMEM((CB, 16), jnp.float32),
            pltpu.VMEM_SHARED((NP, 16), jnp.float32),
        ],
    )
    def deg_kernel(dst_hbm, z_hbm, ones_hbm_ref, out_hbm, idxb, ones, acc):
        cid = lax.axis_index("c")
        sid = lax.axis_index("s")

        pltpu.sync_copy(ones_hbm_ref, ones)
        pltpu.sync_copy(
            z_hbm.at[pl.ds(sid * RPT, RPT)],
            acc.at[pl.ds(sid * RPT, RPT)],
        )
        plsc.subcore_barrier()

        base = (sid * NC + cid) * KPT

        def step(j, _):
            pltpu.sync_copy(dst_hbm.at[base + j], idxb)
            pltpu.sync_copy(ones, acc.at[idxb], add=True)
            return 0

        lax.fori_loop(0, KPT, step, 0)
        plsc.subcore_barrier()
        pltpu.sync_copy(
            acc.at[pl.ds(sid * RPT, RPT)],
            out_hbm.at[cid].at[pl.ds(sid * RPT, RPT)],
        )

    return deg_kernel(dst_r, zeros_hbm, ones_hbm)


def _sc_agg(src_r, dst_r, y, d):
    stage_y = d < 128

    scratch = [
        pltpu.VMEM((CB,), jnp.int32),
        pltpu.VMEM((CB,), jnp.int32),
        pltpu.VMEM((CB, d), jnp.float32),
        pltpu.VMEM_SHARED((NP, d), jnp.float32),
        pltpu.SemaphoreType.DMA,
    ]
    if stage_y:
        scratch.append(pltpu.VMEM_SHARED((NP, d), jnp.float32))

    @functools.partial(
        pl.kernel,
        out_type=jax.ShapeDtypeStruct((NC, NP, d), jnp.float32),
        mesh=_mesh(),
        scratch_types=scratch,
    )
    def agg_kernel(src_hbm, dst_hbm, y_hbm, z_hbm, out_hbm, sidx, didx, rows,
                   acc, sem, *maybe_ys):
        cid = lax.axis_index("c")
        sid = lax.axis_index("s")

        pltpu.sync_copy(
            z_hbm.at[pl.ds(sid * RPT, RPT)],
            acc.at[pl.ds(sid * RPT, RPT)],
        )
        if stage_y:
            ysh = maybe_ys[0]
            pltpu.sync_copy(
                y_hbm.at[pl.ds(sid * RPT, RPT)],
                ysh.at[pl.ds(sid * RPT, RPT)],
            )
            y_src = ysh
        else:
            y_src = y_hbm
        plsc.subcore_barrier()

        base = (sid * NC + cid) * KPT

        def step(j, _):
            ch = base + j
            pltpu.sync_copy(src_hbm.at[ch], sidx)
            pltpu.sync_copy(dst_hbm.at[ch], didx)
            pltpu.async_copy(y_src.at[sidx], rows, sem).wait()
            plsc.subcore_barrier()
            pltpu.sync_copy(rows, acc.at[didx], add=True)
            return 0

        lax.fori_loop(0, KPT, step, 0)
        plsc.subcore_barrier()
        pltpu.sync_copy(
            acc.at[pl.ds(sid * RPT, RPT)],
            out_hbm.at[cid].at[pl.ds(sid * RPT, RPT)],
        )

    return agg_kernel(src_r, dst_r, y, jnp.zeros((NP, d), jnp.float32))


def _tc_prep(degp, xp):
    def body(degp_ref, x_ref, dinv_ref, y_ref):
        deg = degp_ref[0, :, 0:1] + degp_ref[1, :, 0:1] + 1.0
        dinv = lax.rsqrt(deg)
        dinv_ref[...] = dinv
        y_ref[...] = x_ref[...] * dinv

    return pl.pallas_call(
        body,
        grid=(NP // RB,),
        in_specs=[
            pl.BlockSpec((NC, RB, 16), lambda i: (0, i, 0)),
            pl.BlockSpec((RB, D_IN), lambda i: (i, 0)),
        ],
        out_specs=[
            pl.BlockSpec((RB, 1), lambda i: (i, 0)),
            pl.BlockSpec((RB, D_IN), lambda i: (i, 0)),
        ],
        out_shape=[
            jax.ShapeDtypeStruct((NP, 1), jnp.float32),
            jax.ShapeDtypeStruct((NP, D_IN), jnp.float32),
        ],
    )(degp, xp)


def _tc_layer1(aggp, y1, dinv, w1, b1, w2):
    def body(a_ref, y_ref, dinv_ref, w1_ref, b1_ref, w2_ref, out_ref):
        dinv = dinv_ref[...]
        z = (a_ref[0] + a_ref[1] + y_ref[...]) * dinv
        h = jnp.dot(z, w1_ref[...], preferred_element_type=jnp.float32)
        h = jnp.maximum(h + b1_ref[...], 0.0)
        t = jnp.dot(h, w2_ref[...], preferred_element_type=jnp.float32)
        out_ref[...] = t * dinv

    return pl.pallas_call(
        body,
        grid=(NP // RB,),
        in_specs=[
            pl.BlockSpec((NC, RB, D_IN), lambda i: (0, i, 0)),
            pl.BlockSpec((RB, D_IN), lambda i: (i, 0)),
            pl.BlockSpec((RB, 1), lambda i: (i, 0)),
            pl.BlockSpec((D_IN, H1), lambda i: (0, 0)),
            pl.BlockSpec((1, H1), lambda i: (0, 0)),
            pl.BlockSpec((H1, H2), lambda i: (0, 0)),
        ],
        out_specs=pl.BlockSpec((RB, H2), lambda i: (i, 0)),
        out_shape=jax.ShapeDtypeStruct((NP, H2), jnp.float32),
    )(aggp, y1, dinv, w1, b1, w2)


def _tc_layer2(aggp, y2, dinv, b2):
    def body(a_ref, y_ref, dinv_ref, b2_ref, out_ref):
        dinv = dinv_ref[...]
        z = (a_ref[0] + a_ref[1] + y_ref[...]) * dinv
        out_ref[...] = jnp.maximum(z + b2_ref[...], 0.0) * dinv

    return pl.pallas_call(
        body,
        grid=(NP // RB,),
        in_specs=[
            pl.BlockSpec((NC, RB, H2), lambda i: (0, i, 0)),
            pl.BlockSpec((RB, H2), lambda i: (i, 0)),
            pl.BlockSpec((RB, 1), lambda i: (i, 0)),
            pl.BlockSpec((1, H2), lambda i: (0, 0)),
        ],
        out_specs=pl.BlockSpec((RB, H2), lambda i: (i, 0)),
        out_shape=jax.ShapeDtypeStruct((NP, H2), jnp.float32),
    )(aggp, y2, dinv, b2)


def _tc_layer3(aggp, y3, dinv, w3, b3):
    def body(a_ref, y_ref, dinv_ref, w3_ref, b3_ref, out_ref):
        z = (a_ref[0] + a_ref[1] + y_ref[...]) * dinv_ref[...]
        o = jnp.dot(z, w3_ref[...], preferred_element_type=jnp.float32)
        out_ref[...] = o + b3_ref[...]

    return pl.pallas_call(
        body,
        grid=(NP // RB,),
        in_specs=[
            pl.BlockSpec((NC, RB, H2), lambda i: (0, i, 0)),
            pl.BlockSpec((RB, H2), lambda i: (i, 0)),
            pl.BlockSpec((RB, 1), lambda i: (i, 0)),
            pl.BlockSpec((H2, C), lambda i: (0, 0)),
            pl.BlockSpec((1, C), lambda i: (0, 0)),
        ],
        out_specs=pl.BlockSpec((RB, C), lambda i: (i, 0)),
        out_shape=jax.ShapeDtypeStruct((NP, C), jnp.float32),
    )(aggp, y3, dinv, w3, b3)


def kernel(x, edge_index, W1, b1, W2, b2, W3, b3):
    pad = N + (jnp.arange(EP - E, dtype=jnp.int32) % (NP - N))
    src_r = jnp.concatenate([edge_index[0], pad]).reshape(NCH, CB)
    dst_r = jnp.concatenate([edge_index[1], pad]).reshape(NCH, CB)
    xp = jnp.pad(x, ((0, NP - N), (0, 0)))

    degp = _sc_degree(dst_r, jnp.zeros((NP, 16), jnp.float32),
                      jnp.ones((CB, 16), jnp.float32))
    dinv, y1 = _tc_prep(degp, xp)
    agg1 = _sc_agg(src_r, dst_r, y1, D_IN)
    y2 = _tc_layer1(agg1, y1, dinv, W1, b1.reshape(1, H1), W2)
    agg2 = _sc_agg(src_r, dst_r, y2, H2)
    y3 = _tc_layer2(agg2, y2, dinv, b2.reshape(1, H2))
    agg3 = _sc_agg(src_r, dst_r, y3, H2)
    out = _tc_layer3(agg3, y3, dinv, W3, b3.reshape(1, C))
    return out[:N]

# --- scband reference (transcript-rebuilt; emitter-appended) ---
"""Pipeline reference for scband-gcn-12945031430676 (READ-ONLY COPY).

The authoritative reference and input builder live on the scoring server;
editing this copy changes nothing except your own understanding.
"""

import jax, jax.numpy as jnp
import numpy as np

N = 10000
E = 320000
D_IN = 128
H1 = 256
H2 = 32
C = 40


def setup_inputs(seed: int = 0) -> dict:
    key = jax.random.key(seed)
    ks = jax.random.split(key, 8)
    x = jax.random.normal(ks[0], (N, D_IN), dtype=jnp.float32)
    edge_index = jax.random.randint(ks[1], (2, E), 0, N, dtype=jnp.int32)
    W1 = jax.random.normal(ks[2], (D_IN, H1), dtype=jnp.float32) * (1.0 / np.sqrt(D_IN))
    b1 = jnp.zeros((H1,), dtype=jnp.float32)
    W2 = jax.random.normal(ks[3], (H1, H2), dtype=jnp.float32) * (1.0 / np.sqrt(H1))
    b2 = jnp.zeros((H2,), dtype=jnp.float32)
    W3 = jax.random.normal(ks[4], (H2, C), dtype=jnp.float32) * (1.0 / np.sqrt(H2))
    b3 = jnp.zeros((C,), dtype=jnp.float32)
    return {"x": x, "edge_index": edge_index, "W1": W1, "b1": b1, "W2": W2, "b2": b2, "W3": W3, "b3": b3}


def _gcn_conv(x, src, dst, norm, W, b):
    # x' = D^{-1/2} (A + I) D^{-1/2} X W + b  (GCNConv with self-loops)
    h = x @ W
    msg = h[src] * norm[:, None]
    out = jnp.zeros((N, W.shape[1]), dtype=h.dtype).at[dst].add(msg)
    return out + b


def _build_adj(edge_index):
    loop = jnp.arange(N, dtype=edge_index.dtype)
    src = jnp.concatenate([edge_index[0], loop])
    dst = jnp.concatenate([edge_index[1], loop])
    deg = jnp.zeros((N,), dtype=jnp.float32).at[dst].add(1.0)
    dinv = jnp.where(deg > 0, 1.0 / jnp.sqrt(deg), 0.0)
    norm = dinv[src] * dinv[dst]
    return src, dst, norm


def reference(x, edge_index, W1, b1, W2, b2, W3, b3):
    src, dst, norm = _build_adj(edge_index)
    h = _gcn_conv(x, src, dst, norm, W1, b1)
    h = jax.nn.relu(h)
    # dropout is identity in eval mode
    h = _gcn_conv(h, src, dst, norm, W2, b2)
    h = jax.nn.relu(h)
    h = _gcn_conv(h, src, dst, norm, W3, b3)
    return h

if __name__ == "__main__":
    import jax
    _d = setup_inputs()
    print(jax.jit(kernel)(*tuple(_d.values())))

</pallas_src>

<mosaic_0001>
#map = affine_map<(d0, d1) -> (0, 0)>
#map1 = affine_map<(d0, d1) -> (0, 0, 0)>
module attributes {stable_mosaic.version = 14 : i64} {
  func.func @deg_kernel(%arg0: i32, %arg1: i32, %arg2: memref<2560x128xi32, #tpu.memory_space<hbm>>, %arg3: memref<10240x16xf32, #tpu.memory_space<hbm>>, %arg4: memref<128x16xf32, #tpu.memory_space<hbm>>, %arg5: memref<2x10240x16xf32, #tpu.memory_space<hbm>>, %arg6: memref<128xi32, #tpu.memory_space<vmem>>, %arg7: memref<128x16xf32, #tpu.memory_space<vmem>>, %arg8: memref<10240x16xf32, #tpu.memory_space<vmem_shared>>) attributes {dimension_semantics = [#tpu.dimension_semantics<core_parallel>, #tpu.dimension_semantics<subcore_parallel>], iteration_bounds = array<i64: 2, 16>, scalar_prefetch = 0 : i64, scratch_operands = 3 : i64, tpu.core_type = #tpu.core_type<sc_vector_subcore>, window_params = [{transform_indices = #map}, {transform_indices = #map}, {transform_indices = #map}, {transform_indices = #map1}]} {
    "tpu.region"() ({
      %run_scoped3A = tpu.sem_alloc : memref<!tpu.dma_semaphore, #tpu.memory_space<semaphore_mem>>
      tpu.enqueue_dma source(%arg4 : memref<128x16xf32, #tpu.memory_space<hbm>>) target(%arg7 : memref<128x16xf32, #tpu.memory_space<vmem>>) target_semaphore(%run_scoped3A : memref<!tpu.dma_semaphore, #tpu.memory_space<semaphore_mem>>)
      tpu.wait_dma2 semaphore(%run_scoped3A : memref<!tpu.dma_semaphore, #tpu.memory_space<semaphore_mem>>) src(%arg4 : memref<128x16xf32, #tpu.memory_space<hbm>>) dst(%arg7 : memref<128x16xf32, #tpu.memory_space<vmem>>)
      tpu.yield
    }) : () -> ()
    %mul3A = arith.constant 640 : i32
    %mul3A_0 = arith.muli %arg1, %mul3A : i32
    %mul3A_1 = arith.constant 640 : i32
    %mul3A_2 = arith.muli %arg1, %mul3A_1 : i32
    "tpu.region"() ({
      %run_scoped3A = tpu.sem_alloc : memref<!tpu.dma_semaphore, #tpu.memory_space<semaphore_mem>>
      %dma_start3A = arith.constant 0 : i32
      %dma_start3A_18 = tpu.memref_slice %arg8[%mul3A_2, %dma_start3A] : memref<10240x16xf32, #tpu.memory_space<vmem_shared>> -> memref<640x16xf32, #tpu.memory_space<vmem_shared>>
      %dma_start3A_19 = arith.constant 0 : i32
      %dma_start3A_20 = tpu.memref_slice %arg3[%mul3A_0, %dma_start3A_19] : memref<10240x16xf32, #tpu.memory_space<hbm>> -> memref<640x16xf32, #tpu.memory_space<hbm>>
      tpu.enqueue_dma source(%dma_start3A_20 : memref<640x16xf32, #tpu.memory_space<hbm>>) target(%dma_start3A_18 : memref<640x16xf32, #tpu.memory_space<vmem_shared>>) target_semaphore(%run_scoped3A : memref<!tpu.dma_semaphore, #tpu.memory_space<semaphore_mem>>)
      %dma_wait3A = arith.constant 0 : i32
      %dma_wait3A_21 = tpu.memref_slice %arg8[%mul3A_2, %dma_wait3A] : memref<10240x16xf32, #tpu.memory_space<vmem_shared>> -> memref<640x16xf32, #tpu.memory_space<vmem_shared>>
      %dma_wait3A_22 = arith.constant 0 : i32
      %dma_wait3A_23 = tpu.memref_slice %arg3[%mul3A_0, %dma_wait3A_22] : memref<10240x16xf32, #tpu.memory_space<hbm>> -> memref<640x16xf32, #tpu.memory_space<hbm>>
      tpu.wait_dma2 semaphore(%run_scoped3A : memref<!tpu.dma_semaphore, #tpu.memory_space<semaphore_mem>>) src(%dma_wait3A_23 : memref<640x16xf32, #tpu.memory_space<hbm>>) dst(%dma_wait3A_21 : memref<640x16xf32, #tpu.memory_space<vmem_shared>>)
      tpu.yield
    }) : () -> ()
    %barrier3A = arith.constant 0 : index
    tpu.barrier barrier_id(%barrier3A)
    %mul3A_3 = arith.constant 2 : i32
    %mul3A_4 = arith.muli %arg1, %mul3A_3 : i32
    %add3A = arith.addi %mul3A_4, %arg0 : i32
    %mul3A_5 = arith.constant 80 : i32
    %mul3A_6 = arith.muli %add3A, %mul3A_5 : i32
    %scan3A = arith.constant 0 : i32
    %scan3A_7 = arith.constant 0 : i32
    %scan3A_8 = arith.constant 80 : i32
    %scan3A_9 = arith.addi %scan3A_7, %scan3A_8 : i32
    %scan3A_10 = arith.constant 1 : i32
    %scan3A_11 = scf.for %scan3A_18 = %scan3A_7 to %scan3A_9 step %scan3A_10 iter_args(%scan3A_19 = %scan3A) -> (i32)  : i32 {
      %add3A_20 = arith.addi %mul3A_6, %scan3A_18 : i32
      "tpu.region"() ({
        %run_scoped3A = tpu.sem_alloc : memref<!tpu.dma_semaphore, #tpu.memory_space<semaphore_mem>>
        %dma_start3A = arith.constant 0 : i32
        %dma_start3A_22 = tpu.memref_slice %arg2[%add3A_20, %dma_start3A] : memref<2560x128xi32, #tpu.memory_space<hbm>> -> memref<1x128xi32, #tpu.memory_space<hbm>>
        %dma_start3A_23 = tpu.memref_squeeze %dma_start3A_22 : memref<1x128xi32, #tpu.memory_space<hbm>> -> memref<128xi32, #tpu.memory_space<hbm>>
        %dma_start3A_24 = arith.constant 0 : i32
        %dma_start3A_25 = tpu.memref_slice %arg2[%add3A_20, %dma_start3A_24] : memref<2560x128xi32, #tpu.memory_space<hbm>> -> memref<1x128xi32, #tpu.memory_space<hbm>>
        %dma_start3A_26 = tpu.memref_squeeze %dma_start3A_25 : memref<1x128xi32, #tpu.memory_space<hbm>> -> memref<128xi32, #tpu.memory_space<hbm>>
        tpu.enqueue_dma source(%dma_start3A_26 : memref<128xi32, #tpu.memory_space<hbm>>) target(%arg6 : memref<128xi32, #tpu.memory_space<vmem>>) target_semaphore(%run_scoped3A : memref<!tpu.dma_semaphore, #tpu.memory_space<semaphore_mem>>)
        %dma_wait3A = arith.constant 0 : i32
        %dma_wait3A_27 = tpu.memref_slice %arg2[%add3A_20, %dma_wait3A] : memref<2560x128xi32, #tpu.memory_space<hbm>> -> memref<1x128xi32, #tpu.memory_space<hbm>>
        %dma_wait3A_28 = tpu.memref_squeeze %dma_wait3A_27 : memref<1x128xi32, #tpu.memory_space<hbm>> -> memref<128xi32, #tpu.memory_space<hbm>>
        %dma_wait3A_29 = arith.constant 0 : i32
        %dma_wait3A_30 = tpu.memref_slice %arg2[%add3A_20, %dma_wait3A_29] : memref<2560x128xi32, #tpu.memory_space<hbm>> -> memref<1x128xi32, #tpu.memory_space<hbm>>
        %dma_wait3A_31 = tpu.memref_squeeze %dma_wait3A_30 : memref<1x128xi32, #tpu.memory_space<hbm>> -> memref<128xi32, #tpu.memory_space<hbm>>
        tpu.wait_dma2 semaphore(%run_scoped3A : memref<!tpu.dma_semaphore, #tpu.memory_space<semaphore_mem>>) src(%dma_wait3A_31 : memref<128xi32, #tpu.memory_space<hbm>>) dst(%arg6 : memref<128xi32, #tpu.memory_space<vmem>>)
        tpu.yield
      }) : () -> ()
      "tpu.region"() ({
        %run_scoped3A = tpu.sem_alloc : memref<!tpu.dma_semaphore, #tpu.memory_space<semaphore_mem>>
        %dma_start3A = arith.constant 0 : i32
        %dma_start3A_22 = arith.constant 0 : i32
        %dma_start3A_23 = tpu.memref_slice %arg8[%dma_start3A, %dma_start3A_22] : memref<10240x16xf32, #tpu.memory_space<vmem_shared>> -> memref<10240x16xf32, #tpu.memory_space<vmem_shared>>
        tpu.enqueue_indirect_dma source(%arg7 : memref<128x16xf32, #tpu.memory_space<vmem>>) target(%dma_start3A_23 : memref<10240x16xf32, #tpu.memory_space<vmem_shared>>) offsets(%arg6 : memref<128xi32, #tpu.memory_space<vmem>>) semaphore(%run_scoped3A : memref<!tpu.dma_semaphore, #tpu.memory_space<semaphore_mem>>) {add = true}
        %dma_wait3A = arith.constant 0 : i32
        %dma_wait3A_24 = arith.constant 0 : i32
        %dma_wait3A_25 = tpu.memref_slice %arg8[%dma_wait3A, %dma_wait3A_24] : memref<10240x16xf32, #tpu.memory_space<vmem_shared>> -> memref<10240x16xf32, #tpu.memory_space<vmem_shared>>
        tpu.wait_indirect_dma semaphore(%run_scoped3A : memref<!tpu.dma_semaphore, #tpu.memory_space<semaphore_mem>>) src(%arg7 : memref<128x16xf32, #tpu.memory_space<vmem>>) dst(%dma_wait3A_25 : memref<10240x16xf32, #tpu.memory_space<vmem_shared>>)
        tpu.yield
      }) : () -> ()
      %scan3A_21 = arith.constant 0 : i32
      scf.yield %scan3A_21 : i32
    }
    %scan3A_12 = arith.constant 80 : i32
    %barrier3A_13 = arith.constant 0 : index
    tpu.barrier barrier_id(%barrier3A_13)
    %mul3A_14 = arith.constant 640 : i32
    %mul3A_15 = arith.muli %arg1, %mul3A_14 : i32
    %mul3A_16 = arith.constant 640 : i32
    %mul3A_17 = arith.muli %arg1, %mul3A_16 : i32
    "tpu.region"() ({
      %run_scoped3A = tpu.sem_alloc : memref<!tpu.dma_semaphore, #tpu.memory_space<semaphore_mem>>
      %dma_start3A = arith.constant 0 : i32
      %dma_start3A_18 = arith.constant 0 : i32
      %dma_start3A_19 = tpu.memref_slice %arg5[%arg0, %dma_start3A, %dma_start3A_18] : memref<2x10240x16xf32, #tpu.memory_space<hbm>> -> memref<1x10240x16xf32, #tpu.memory_space<hbm>>
      %dma_start3A_20 = tpu.memref_squeeze %dma_start3A_19 : memref<1x10240x16xf32, #tpu.memory_space<hbm>> -> memref<10240x16xf32, #tpu.memory_space<hbm>>
      %dma_start3A_21 = arith.constant 0 : i32
      %dma_start3A_22 = tpu.memref_slice %dma_start3A_20[%mul3A_17, %dma_start3A_21] : memref<10240x16xf32, #tpu.memory_space<hbm>> -> memref<640x16xf32, #tpu.memory_space<hbm>>
      %dma_start3A_23 = arith.constant 0 : i32
      %dma_start3A_24 = tpu.memref_slice %arg8[%mul3A_15, %dma_start3A_23] : memref<10240x16xf32, #tpu.memory_space<vmem_shared>> -> memref<640x16xf32, #tpu.memory_space<vmem_shared>>
      tpu.enqueue_dma source(%dma_start3A_24 : memref<640x16xf32, #tpu.memory_space<vmem_shared>>) target(%dma_start3A_22 : memref<640x16xf32, #tpu.memory_space<hbm>>) target_semaphore(%run_scoped3A : memref<!tpu.dma_semaphore, #tpu.memory_space<semaphore_mem>>)
      %dma_wait3A = arith.constant 0 : i32
      %dma_wait3A_25 = arith.constant 0 : i32
      %dma_wait3A_26 = tpu.memref_slice %arg5[%arg0, %dma_wait3A, %dma_wait3A_25] : memref<2x10240x16xf32, #tpu.memory_space<hbm>> -> memref<1x10240x16xf32, #tpu.memory_space<hbm>>
      %dma_wait3A_27 = tpu.memref_squeeze %dma_wait3A_26 : memref<1x10240x16xf32, #tpu.memory_space<hbm>> -> memref<10240x16xf32, #tpu.memory_space<hbm>>
      %dma_wait3A_28 = arith.constant 0 : i32
      %dma_wait3A_29 = tpu.memref_slice %dma_wait3A_27[%mul3A_17, %dma_wait3A_28] : memref<10240x16xf32, #tpu.memory_space<hbm>> -> memref<640x16xf32, #tpu.memory_space<hbm>>
      %dma_wait3A_30 = arith.constant 0 : i32
      %dma_wait3A_31 = tpu.memref_slice %arg8[%mul3A_15, %dma_wait3A_30] : memref<10240x16xf32, #tpu.memory_space<vmem_shared>> -> memref<640x16xf32, #tpu.memory_space<vmem_shared>>
      tpu.wait_dma2 semaphore(%run_scoped3A : memref<!tpu.dma_semaphore, #tpu.memory_space<semaphore_mem>>) src(%dma_wait3A_31 : memref<640x16xf32, #tpu.memory_space<vmem_shared>>) dst(%dma_wait3A_29 : memref<640x16xf32, #tpu.memory_space<hbm>>)
      tpu.yield
    }) : () -> ()
    return
  }
}

#map = affine_map<(d0, d1) -> (0, 0)>
#map1 = affine_map<(d0, d1) -> (0, 0, 0)>
module attributes {stable_mosaic.version = 14 : i64} {
  func.func @agg_kernel(%arg0: i32, %arg1: i32, %arg2: memref<2560x128xi32, #tpu.memory_space<hbm>>, %arg3: memref<2560x128xi32, #tpu.memory_space<hbm>>, %arg4: memref<10240x128xf32, #tpu.memory_space<hbm>>, %arg5: memref<10240x128xf32, #tpu.memory_space<hbm>>, %arg6: memref<2x10240x128xf32, #tpu.memory_space<hbm>>, %arg7: memref<128xi32, #tpu.memory_space<vmem>>, %arg8: memref<128xi32, #tpu.memory_space<vmem>>, %arg9: memref<128x128xf32, #tpu.memory_space<vmem>>, %arg10: memref<10240x128xf32, #tpu.memory_space<vmem_shared>>, %arg11: memref<!tpu.dma_semaphore, #tpu.memory_space<semaphore_mem>>) attributes {dimension_semantics = [#tpu.dimension_semantics<core_parallel>, #tpu.dimension_semantics<subcore_parallel>], iteration_bounds = array<i64: 2, 16>, scalar_prefetch = 0 : i64, scratch_operands = 5 : i64, tpu.core_type = #tpu.core_type<sc_vector_subcore>, window_params = [{transform_indices = #map}, {transform_indices = #map}, {transform_indices = #map}, {transform_indices = #map}, {transform_indices = #map1}]} {
    %mul3A = arith.constant 640 : i32
    %mul3A_0 = arith.muli %arg1, %mul3A : i32
    %mul3A_1 = arith.constant 640 : i32
    %mul3A_2 = arith.muli %arg1, %mul3A_1 : i32
    "tpu.region"() ({
      %run_scoped3A = tpu.sem_alloc : memref<!tpu.dma_semaphore, #tpu.memory_space<semaphore_mem>>
      %dma_start3A = arith.constant 0 : i32
      %dma_start3A_18 = tpu.memref_slice %arg10[%mul3A_2, %dma_start3A] : memref<10240x128xf32, #tpu.memory_space<vmem_shared>> -> memref<640x128xf32, #tpu.memory_space<vmem_shared>>
      %dma_start3A_19 = arith.constant 0 : i32
      %dma_start3A_20 = tpu.memref_slice %arg5[%mul3A_0, %dma_start3A_19] : memref<10240x128xf32, #tpu.memory_space<hbm>> -> memref<640x128xf32, #tpu.memory_space<hbm>>
      tpu.enqueue_dma source(%dma_start3A_20 : memref<640x128xf32, #tpu.memory_space<hbm>>) target(%dma_start3A_18 : memref<640x128xf32, #tpu.memory_space<vmem_shared>>) target_semaphore(%run_scoped3A : memref<!tpu.dma_semaphore, #tpu.memory_space<semaphore_mem>>)
      %dma_wait3A = arith.constant 0 : i32
      %dma_wait3A_21 = tpu.memref_slice %arg10[%mul3A_2, %dma_wait3A] : memref<10240x128xf32, #tpu.memory_space<vmem_shared>> -> memref<640x128xf32, #tpu.memory_space<vmem_shared>>
      %dma_wait3A_22 = arith.constant 0 : i32
      %dma_wait3A_23 = tpu.memref_slice %arg5[%mul3A_0, %dma_wait3A_22] : memref<10240x128xf32, #tpu.memory_space<hbm>> -> memref<640x128xf32, #tpu.memory_space<hbm>>
      tpu.wait_dma2 semaphore(%run_scoped3A : memref<!tpu.dma_semaphore, #tpu.memory_space<semaphore_mem>>) src(%dma_wait3A_23 : memref<640x128xf32, #tpu.memory_space<hbm>>) dst(%dma_wait3A_21 : memref<640x128xf32, #tpu.memory_space<vmem_shared>>)
      tpu.yield
    }) : () -> ()
    %barrier3A = arith.constant 0 : index
    tpu.barrier barrier_id(%barrier3A)
    %mul3A_3 = arith.constant 2 : i32
    %mul3A_4 = arith.muli %arg1, %mul3A_3 : i32
    %add3A = arith.addi %mul3A_4, %arg0 : i32
    %mul3A_5 = arith.constant 80 : i32
    %mul3A_6 = arith.muli %add3A, %mul3A_5 : i32
    %scan3A = arith.constant 0 : i32
    %scan3A_7 = arith.constant 0 : i32
    %scan3A_8 = arith.constant 80 : i32
    %scan3A_9 = arith.addi %scan3A_7, %scan3A_8 : i32
    %scan3A_10 = arith.constant 1 : i32
    %scan3A_11 = scf.for %scan3A_18 = %scan3A_7 to %scan3A_9 step %scan3A_10 iter_args(%scan3A_19 = %scan3A) -> (i32)  : i32 {
      %add3A_20 = arith.addi %mul3A_6, %scan3A_18 : i32
      "tpu.region"() ({
        %run_scoped3A = tpu.sem_alloc : memref<!tpu.dma_semaphore, #tpu.memory_space<semaphore_mem>>
        %dma_start3A_27 = arith.constant 0 : i32
        %dma_start3A_28 = tpu.memref_slice %arg2[%add3A_20, %dma_start3A_27] : memref<2560x128xi32, #tpu.memory_space<hbm>> -> memref<1x128xi32, #tpu.memory_space<hbm>>
        %dma_start3A_29 = tpu.memref_squeeze %dma_start3A_28 : memref<1x128xi32, #tpu.memory_space<hbm>> -> memref<128xi32, #tpu.memory_space<hbm>>
        %dma_start3A_30 = arith.constant 0 : i32
        %dma_start3A_31 = tpu.memref_slice %arg2[%add3A_20, %dma_start3A_30] : memref<2560x128xi32, #tpu.memory_space<hbm>> -> memref<1x128xi32, #tpu.memory_space<hbm>>
        %dma_start3A_32 = tpu.memref_squeeze %dma_start3A_31 : memref<1x128xi32, #tpu.memory_space<hbm>> -> memref<128xi32, #tpu.memory_space<hbm>>
        tpu.enqueue_dma source(%dma_start3A_32 : memref<128xi32, #tpu.memory_space<hbm>>) target(%arg7 : memref<128xi32, #tpu.memory_space<vmem>>) target_semaphore(%run_scoped3A : memref<!tpu.dma_semaphore, #tpu.memory_space<semaphore_mem>>)
        %dma_wait3A_33 = arith.constant 0 : i32
        %dma_wait3A_34 = tpu.memref_slice %arg2[%add3A_20, %dma_wait3A_33] : memref<2560x128xi32, #tpu.memory_space<hbm>> -> memref<1x128xi32, #tpu.memory_space<hbm>>
        %dma_wait3A_35 = tpu.memref_squeeze %dma_wait3A_34 : memref<1x128xi32, #tpu.memory_space<hbm>> -> memref<128xi32, #tpu.memory_space<hbm>>
        %dma_wait3A_36 = arith.constant 0 : i32
        %dma_wait3A_37 = tpu.memref_slice %arg2[%add3A_20, %dma_wait3A_36] : memref<2560x128xi32, #tpu.memory_space<hbm>> -> memref<1x128xi32, #tpu.memory_space<hbm>>
        %dma_wait3A_38 = tpu.memref_squeeze %dma_wait3A_37 : memref<1x128xi32, #tpu.memory_space<hbm>> -> memref<128xi32, #tpu.memory_space<hbm>>
        tpu.wait_dma2 semaphore(%run_scoped3A : memref<!tpu.dma_semaphore, #tpu.memory_space<semaphore_mem>>) src(%dma_wait3A_38 : memref<128xi32, #tpu.memory_space<hbm>>) dst(%arg7 : memref<128xi32, #tpu.memory_space<vmem>>)
        tpu.yield
      }) : () -> ()
      "tpu.region"() ({
        %run_scoped3A = tpu.sem_alloc : memref<!tpu.dma_semaphore, #tpu.memory_space<semaphore_mem>>
        %dma_start3A_27 = arith.constant 0 : i32
        %dma_start3A_28 = tpu.memref_slice %arg3[%add3A_20, %dma_start3A_27] : memref<2560x128xi32, #tpu.memory_space<hbm>> -> memref<1x128xi32, #tpu.memory_space<hbm>>
        %dma_start3A_29 = tpu.memref_squeeze %dma_start3A_28 : memref<1x128xi32, #tpu.memory_space<hbm>> -> memref<128xi32, #tpu.memory_space<hbm>>
        %dma_start3A_30 = arith.constant 0 : i32
        %dma_start3A_31 = tpu.memref_slice %arg3[%add3A_20, %dma_start3A_30] : memref<2560x128xi32, #tpu.memory_space<hbm>> -> memref<1x128xi32, #tpu.memory_space<hbm>>
        %dma_start3A_32 = tpu.memref_squeeze %dma_start3A_31 : memref<1x128xi32, #tpu.memory_space<hbm>> -> memref<128xi32, #tpu.memory_space<hbm>>
        tpu.enqueue_dma source(%dma_start3A_32 : memref<128xi32, #tpu.memory_space<hbm>>) target(%arg8 : memref<128xi32, #tpu.memory_space<vmem>>) target_semaphore(%run_scoped3A : memref<!tpu.dma_semaphore, #tpu.memory_space<semaphore_mem>>)
        %dma_wait3A_33 = arith.constant 0 : i32
        %dma_wait3A_34 = tpu.memref_slice %arg3[%add3A_20, %dma_wait3A_33] : memref<2560x128xi32, #tpu.memory_space<hbm>> -> memref<1x128xi32, #tpu.memory_space<hbm>>
        %dma_wait3A_35 = tpu.memref_squeeze %dma_wait3A_34 : memref<1x128xi32, #tpu.memory_space<hbm>> -> memref<128xi32, #tpu.memory_space<hbm>>
        %dma_wait3A_36 = arith.constant 0 : i32
        %dma_wait3A_37 = tpu.memref_slice %arg3[%add3A_20, %dma_wait3A_36] : memref<2560x128xi32, #tpu.memory_space<hbm>> -> memref<1x128xi32, #tpu.memory_space<hbm>>
        %dma_wait3A_38 = tpu.memref_squeeze %dma_wait3A_37 : memref<1x128xi32, #tpu.memory_space<hbm>> -> memref<128xi32, #tpu.memory_space<hbm>>
        tpu.wait_dma2 semaphore(%run_scoped3A : memref<!tpu.dma_semaphore, #tpu.memory_space<semaphore_mem>>) src(%dma_wait3A_38 : memref<128xi32, #tpu.memory_space<hbm>>) dst(%arg8 : memref<128xi32, #tpu.memory_space<vmem>>)
        tpu.yield
      }) : () -> ()
      %dma_start3A = arith.constant 0 : i32
      %dma_start3A_21 = arith.constant 0 : i32
      %dma_start3A_22 = tpu.memref_slice %arg4[%dma_start3A, %dma_start3A_21] : memref<10240x128xf32, #tpu.memory_space<hbm>> -> memref<10240x128xf32, #tpu.memory_space<hbm>>
      tpu.enqueue_indirect_dma source(%dma_start3A_22 : memref<10240x128xf32, #tpu.memory_space<hbm>>) target(%arg9 : memref<128x128xf32, #tpu.memory_space<vmem>>) offsets(%arg7 : memref<128xi32, #tpu.memory_space<vmem>>) semaphore(%arg11 : memref<!tpu.dma_semaphore, #tpu.memory_space<semaphore_mem>>)
      %dma_wait3A = arith.constant 0 : i32
      %dma_wait3A_23 = arith.constant 0 : i32
      %dma_wait3A_24 = tpu.memref_slice %arg4[%dma_wait3A, %dma_wait3A_23] : memref<10240x128xf32, #tpu.memory_space<hbm>> -> memref<10240x128xf32, #tpu.memory_space<hbm>>
      tpu.wait_indirect_dma semaphore(%arg11 : memref<!tpu.dma_semaphore, #tpu.memory_space<semaphore_mem>>) src(%dma_wait3A_24 : memref<10240x128xf32, #tpu.memory_space<hbm>>) dst(%arg9 : memref<128x128xf32, #tpu.memory_space<vmem>>)
      %barrier3A_25 = arith.constant 0 : index
      tpu.barrier barrier_id(%barrier3A_25)
      "tpu.region"() ({
        %run_scoped3A = tpu.sem_alloc : memref<!tpu.dma_semaphore, #tpu.memory_space<semaphore_mem>>
        %dma_start3A_27 = arith.constant 0 : i32
        %dma_start3A_28 = arith.constant 0 : i32
        %dma_start3A_29 = tpu.memref_slice %arg10[%dma_start3A_27, %dma_start3A_28] : memref<10240x128xf32, #tpu.memory_space<vmem_shared>> -> memref<10240x128xf32, #tpu.memory_space<vmem_shared>>
        tpu.enqueue_indirect_dma source(%arg9 : memref<128x128xf32, #tpu.memory_space<vmem>>) target(%dma_start3A_29 : memref<10240x128xf32, #tpu.memory_space<vmem_shared>>) offsets(%arg8 : memref<128xi32, #tpu.memory_space<vmem>>) semaphore(%run_scoped3A : memref<!tpu.dma_semaphore, #tpu.memory_space<semaphore_mem>>) {add = true}
        %dma_wait3A_30 = arith.constant 0 : i32
        %dma_wait3A_31 = arith.constant 0 : i32
        %dma_wait3A_32 = tpu.memref_slice %arg10[%dma_wait3A_30, %dma_wait3A_31] : memref<10240x128xf32, #tpu.memory_space<vmem_shared>> -> memref<10240x128xf32, #tpu.memory_space<vmem_shared>>
        tpu.wait_indirect_dma semaphore(%run_scoped3A : memref<!tpu.dma_semaphore, #tpu.memory_space<semaphore_mem>>) src(%arg9 : memref<128x128xf32, #tpu.memory_space<vmem>>) dst(%dma_wait3A_32 : memref<10240x128xf32, #tpu.memory_space<vmem_shared>>)
        tpu.yield
      }) : () -> ()
      %scan3A_26 = arith.constant 0 : i32
      scf.yield %scan3A_26 : i32
    }
    %scan3A_12 = arith.constant 80 : i32
    %barrier3A_13 = arith.constant 0 : index
    tpu.barrier barrier_id(%barrier3A_13)
    %mul3A_14 = arith.constant 640 : i32
    %mul3A_15 = arith.muli %arg1, %mul3A_14 : i32
    %mul3A_16 = arith.constant 640 : i32
    %mul3A_17 = arith.muli %arg1, %mul3A_16 : i32
    "tpu.region"() ({
      %run_scoped3A = tpu.sem_alloc : memref<!tpu.dma_semaphore, #tpu.memory_space<semaphore_mem>>
      %dma_start3A = arith.constant 0 : i32
      %dma_start3A_18 = arith.constant 0 : i32
      %dma_start3A_19 = tpu.memref_slice %arg6[%arg0, %dma_start3A, %dma_start3A_18] : memref<2x10240x128xf32, #tpu.memory_space<hbm>> -> memref<1x10240x128xf32, #tpu.memory_space<hbm>>
      %dma_start3A_20 = tpu.memref_squeeze %dma_start3A_19 : memref<1x10240x128xf32, #tpu.memory_space<hbm>> -> memref<10240x128xf32, #tpu.memory_space<hbm>>
      %dma_start3A_21 = arith.constant 0 : i32
      %dma_start3A_22 = tpu.memref_slice %dma_start3A_20[%mul3A_17, %dma_start3A_21] : memref<10240x128xf32, #tpu.memory_space<hbm>> -> memref<640x128xf32, #tpu.memory_space<hbm>>
      %dma_start3A_23 = arith.constant 0 : i32
      %dma_start3A_24 = tpu.memref_slice %arg10[%mul3A_15, %dma_start3A_23] : memref<10240x128xf32, #tpu.memory_space<vmem_shared>> -> memref<640x128xf32, #tpu.memory_space<vmem_shared>>
      tpu.enqueue_dma source(%dma_start3A_24 : memref<640x128xf32, #tpu.memory_space<vmem_shared>>) target(%dma_start3A_22 : memref<640x128xf32, #tpu.memory_space<hbm>>) target_semaphore(%run_scoped3A : memref<!tpu.dma_semaphore, #tpu.memory_space<semaphore_mem>>)
      %dma_wait3A = arith.constant 0 : i32
      %dma_wait3A_25 = arith.constant 0 : i32
      %dma_wait3A_26 = tpu.memref_slice %arg6[%arg0, %dma_wait3A, %dma_wait3A_25] : memref<2x10240x128xf32, #tpu.memory_space<hbm>> -> memref<1x10240x128xf32, #tpu.memory_space<hbm>>
      %dma_wait3A_27 = tpu.memref_squeeze %dma_wait3A_26 : memref<1x10240x128xf32, #tpu.memory_space<hbm>> -> memref<10240x128xf32, #tpu.memory_space<hbm>>
      %dma_wait3A_28 = arith.constant 0 : i32
      %dma_wait3A_29 = tpu.memref_slice %dma_wait3A_27[%mul3A_17, %dma_wait3A_28] : memref<10240x128xf32, #tpu.memory_space<hbm>> -> memref<640x128xf32, #tpu.memory_space<hbm>>
      %dma_wait3A_30 = arith.constant 0 : i32
      %dma_wait3A_31 = tpu.memref_slice %arg10[%mul3A_15, %dma_wait3A_30] : memref<10240x128xf32, #tpu.memory_space<vmem_shared>> -> memref<640x128xf32, #tpu.memory_space<vmem_shared>>
      tpu.wait_dma2 semaphore(%run_scoped3A : memref<!tpu.dma_semaphore, #tpu.memory_space<semaphore_mem>>) src(%dma_wait3A_31 : memref<640x128xf32, #tpu.memory_space<vmem_shared>>) dst(%dma_wait3A_29 : memref<640x128xf32, #tpu.memory_space<hbm>>)
      tpu.yield
    }) : () -> ()
    return
  }
}

#map = affine_map<(d0, d1) -> (0, 0)>
#map1 = affine_map<(d0, d1) -> (0, 0, 0)>
module attributes {stable_mosaic.version = 14 : i64} {
  func.func @agg_kernel(%arg0: i32, %arg1: i32, %arg2: memref<2560x128xi32, #tpu.memory_space<hbm>>, %arg3: memref<2560x128xi32, #tpu.memory_space<hbm>>, %arg4: memref<10240x32xf32, #tpu.memory_space<hbm>>, %arg5: memref<10240x32xf32, #tpu.memory_space<hbm>>, %arg6: memref<2x10240x32xf32, #tpu.memory_space<hbm>>, %arg7: memref<128xi32, #tpu.memory_space<vmem>>, %arg8: memref<128xi32, #tpu.memory_space<vmem>>, %arg9: memref<128x32xf32, #tpu.memory_space<vmem>>, %arg10: memref<10240x32xf32, #tpu.memory_space<vmem_shared>>, %arg11: memref<!tpu.dma_semaphore, #tpu.memory_space<semaphore_mem>>, %arg12: memref<10240x32xf32, #tpu.memory_space<vmem_shared>>) attributes {dimension_semantics = [#tpu.dimension_semantics<core_parallel>, #tpu.dimension_semantics<subcore_parallel>], iteration_bounds = array<i64: 2, 16>, scalar_prefetch = 0 : i64, scratch_operands = 6 : i64, tpu.core_type = #tpu.core_type<sc_vector_subcore>, window_params = [{transform_indices = #map}, {transform_indices = #map}, {transform_indices = #map}, {transform_indices = #map}, {transform_indices = #map1}]} {
    %mul3A = arith.constant 640 : i32
    %mul3A_0 = arith.muli %arg1, %mul3A : i32
    %mul3A_1 = arith.constant 640 : i32
    %mul3A_2 = arith.muli %arg1, %mul3A_1 : i32
    "tpu.region"() ({
      %run_scoped3A = tpu.sem_alloc : memref<!tpu.dma_semaphore, #tpu.memory_space<semaphore_mem>>
      %dma_start3A = arith.constant 0 : i32
      %dma_start3A_22 = tpu.memref_slice %arg10[%mul3A_2, %dma_start3A] : memref<10240x32xf32, #tpu.memory_space<vmem_shared>> -> memref<640x32xf32, #tpu.memory_space<vmem_shared>>
      %dma_start3A_23 = arith.constant 0 : i32
      %dma_start3A_24 = tpu.memref_slice %arg5[%mul3A_0, %dma_start3A_23] : memref<10240x32xf32, #tpu.memory_space<hbm>> -> memref<640x32xf32, #tpu.memory_space<hbm>>
      tpu.enqueue_dma source(%dma_start3A_24 : memref<640x32xf32, #tpu.memory_space<hbm>>) target(%dma_start3A_22 : memref<640x32xf32, #tpu.memory_space<vmem_shared>>) target_semaphore(%run_scoped3A : memref<!tpu.dma_semaphore, #tpu.memory_space<semaphore_mem>>)
      %dma_wait3A = arith.constant 0 : i32
      %dma_wait3A_25 = tpu.memref_slice %arg10[%mul3A_2, %dma_wait3A] : memref<10240x32xf32, #tpu.memory_space<vmem_shared>> -> memref<640x32xf32, #tpu.memory_space<vmem_shared>>
      %dma_wait3A_26 = arith.constant 0 : i32
      %dma_wait3A_27 = tpu.memref_slice %arg5[%mul3A_0, %dma_wait3A_26] : memref<10240x32xf32, #tpu.memory_space<hbm>> -> memref<640x32xf32, #tpu.memory_space<hbm>>
      tpu.wait_dma2 semaphore(%run_scoped3A : memref<!tpu.dma_semaphore, #tpu.memory_space<semaphore_mem>>) src(%dma_wait3A_27 : memref<640x32xf32, #tpu.memory_space<hbm>>) dst(%dma_wait3A_25 : memref<640x32xf32, #tpu.memory_space<vmem_shared>>)
      tpu.yield
    }) : () -> ()
    %mul3A_3 = arith.constant 640 : i32
    %mul3A_4 = arith.muli %arg1, %mul3A_3 : i32
    %mul3A_5 = arith.constant 640 : i32
    %mul3A_6 = arith.muli %arg1, %mul3A_5 : i32
    "tpu.region"() ({
      %run_scoped3A = tpu.sem_alloc : memref<!tpu.dma_semaphore, #tpu.memory_space<semaphore_mem>>
      %dma_start3A = arith.constant 0 : i32
      %dma_start3A_22 = tpu.memref_slice %arg12[%mul3A_6, %dma_start3A] : memref<10240x32xf32, #tpu.memory_space<vmem_shared>> -> memref<640x32xf32, #tpu.memory_space<vmem_shared>>
      %dma_start3A_23 = arith.constant 0 : i32
      %dma_start3A_24 = tpu.memref_slice %arg4[%mul3A_4, %dma_start3A_23] : memref<10240x32xf32, #tpu.memory_space<hbm>> -> memref<640x32xf32, #tpu.memory_space<hbm>>
      tpu.enqueue_dma source(%dma_start3A_24 : memref<640x32xf32, #tpu.memory_space<hbm>>) target(%dma_start3A_22 : memref<640x32xf32, #tpu.memory_space<vmem_shared>>) target_semaphore(%run_scoped3A : memref<!tpu.dma_semaphore, #tpu.memory_space<semaphore_mem>>)
      %dma_wait3A = arith.constant 0 : i32
      %dma_wait3A_25 = tpu.memref_slice %arg12[%mul3A_6, %dma_wait3A] : memref<10240x32xf32, #tpu.memory_space<vmem_shared>> -> memref<640x32xf32, #tpu.memory_space<vmem_shared>>
      %dma_wait3A_26 = arith.constant 0 : i32
      %dma_wait3A_27 = tpu.memref_slice %arg4[%mul3A_4, %dma_wait3A_26] : memref<10240x32xf32, #tpu.memory_space<hbm>> -> memref<640x32xf32, #tpu.memory_space<hbm>>
      tpu.wait_dma2 semaphore(%run_scoped3A : memref<!tpu.dma_semaphore, #tpu.memory_space<semaphore_mem>>) src(%dma_wait3A_27 : memref<640x32xf32, #tpu.memory_space<hbm>>) dst(%dma_wait3A_25 : memref<640x32xf32, #tpu.memory_space<vmem_shared>>)
      tpu.yield
    }) : () -> ()
    %barrier3A = arith.constant 0 : index
    tpu.barrier barrier_id(%barrier3A)
    %mul3A_7 = arith.constant 2 : i32
    %mul3A_8 = arith.muli %arg1, %mul3A_7 : i32
    %add3A = arith.addi %mul3A_8, %arg0 : i32
    %mul3A_9 = arith.constant 80 : i32
    %mul3A_10 = arith.muli %add3A, %mul3A_9 : i32
    %scan3A = arith.constant 0 : i32
    %scan3A_11 = arith.constant 0 : i32
    %scan3A_12 = arith.constant 80 : i32
    %scan3A_13 = arith.addi %scan3A_11, %scan3A_12 : i32
    %scan3A_14 = arith.constant 1 : i32
    %scan3A_15 = scf.for %scan3A_22 = %scan3A_11 to %scan3A_13 step %scan3A_14 iter_args(%scan3A_23 = %scan3A) -> (i32)  : i32 {
      %add3A_24 = arith.addi %mul3A_10, %scan3A_22 : i32
      "tpu.region"() ({
        %run_scoped3A = tpu.sem_alloc : memref<!tpu.dma_semaphore, #tpu.memory_space<semaphore_mem>>
        %dma_start3A_31 = arith.constant 0 : i32
        %dma_start3A_32 = tpu.memref_slice %arg2[%add3A_24, %dma_start3A_31] : memref<2560x128xi32, #tpu.memory_space<hbm>> -> memref<1x128xi32, #tpu.memory_space<hbm>>
        %dma_start3A_33 = tpu.memref_squeeze %dma_start3A_32 : memref<1x128xi32, #tpu.memory_space<hbm>> -> memref<128xi32, #tpu.memory_space<hbm>>
        %dma_start3A_34 = arith.constant 0 : i32
        %dma_start3A_35 = tpu.memref_slice %arg2[%add3A_24, %dma_start3A_34] : memref<2560x128xi32, #tpu.memory_space<hbm>> -> memref<1x128xi32, #tpu.memory_space<hbm>>
        %dma_start3A_36 = tpu.memref_squeeze %dma_start3A_35 : memref<1x128xi32, #tpu.memory_space<hbm>> -> memref<128xi32, #tpu.memory_space<hbm>>
        tpu.enqueue_dma source(%dma_start3A_36 : memref<128xi32, #tpu.memory_space<hbm>>) target(%arg7 : memref<128xi32, #tpu.memory_space<vmem>>) target_semaphore(%run_scoped3A : memref<!tpu.dma_semaphore, #tpu.memory_space<semaphore_mem>>)
        %dma_wait3A_37 = arith.constant 0 : i32
        %dma_wait3A_38 = tpu.memref_slice %arg2[%add3A_24, %dma_wait3A_37] : memref<2560x128xi32, #tpu.memory_space<hbm>> -> memref<1x128xi32, #tpu.memory_space<hbm>>
        %dma_wait3A_39 = tpu.memref_squeeze %dma_wait3A_38 : memref<1x128xi32, #tpu.memory_space<hbm>> -> memref<128xi32, #tpu.memory_space<hbm>>
        %dma_wait3A_40 = arith.constant 0 : i32
        %dma_wait3A_41 = tpu.memref_slice %arg2[%add3A_24, %dma_wait3A_40] : memref<2560x128xi32, #tpu.memory_space<hbm>> -> memref<1x128xi32, #tpu.memory_space<hbm>>
        %dma_wait3A_42 = tpu.memref_squeeze %dma_wait3A_41 : memref<1x128xi32, #tpu.memory_space<hbm>> -> memref<128xi32, #tpu.memory_space<hbm>>
        tpu.wait_dma2 semaphore(%run_scoped3A : memref<!tpu.dma_semaphore, #tpu.memory_space<semaphore_mem>>) src(%dma_wait3A_42 : memref<128xi32, #tpu.memory_space<hbm>>) dst(%arg7 : memref<128xi32, #tpu.memory_space<vmem>>)
        tpu.yield
      }) : () -> ()
      "tpu.region"() ({
        %run_scoped3A = tpu.sem_alloc : memref<!tpu.dma_semaphore, #tpu.memory_space<semaphore_mem>>
        %dma_start3A_31 = arith.constant 0 : i32
        %dma_start3A_32 = tpu.memref_slice %arg3[%add3A_24, %dma_start3A_31] : memref<2560x128xi32, #tpu.memory_space<hbm>> -> memref<1x128xi32, #tpu.memory_space<hbm>>
        %dma_start3A_33 = tpu.memref_squeeze %dma_start3A_32 : memref<1x128xi32, #tpu.memory_space<hbm>> -> memref<128xi32, #tpu.memory_space<hbm>>
        %dma_start3A_34 = arith.constant 0 : i32
        %dma_start3A_35 = tpu.memref_slice %arg3[%add3A_24, %dma_start3A_34] : memref<2560x128xi32, #tpu.memory_space<hbm>> -> memref<1x128xi32, #tpu.memory_space<hbm>>
        %dma_start3A_36 = tpu.memref_squeeze %dma_start3A_35 : memref<1x128xi32, #tpu.memory_space<hbm>> -> memref<128xi32, #tpu.memory_space<hbm>>
        tpu.enqueue_dma source(%dma_start3A_36 : memref<128xi32, #tpu.memory_space<hbm>>) target(%arg8 : memref<128xi32, #tpu.memory_space<vmem>>) target_semaphore(%run_scoped3A : memref<!tpu.dma_semaphore, #tpu.memory_space<semaphore_mem>>)
        %dma_wait3A_37 = arith.constant 0 : i32
        %dma_wait3A_38 = tpu.memref_slice %arg3[%add3A_24, %dma_wait3A_37] : memref<2560x128xi32, #tpu.memory_space<hbm>> -> memref<1x128xi32, #tpu.memory_space<hbm>>
        %dma_wait3A_39 = tpu.memref_squeeze %dma_wait3A_38 : memref<1x128xi32, #tpu.memory_space<hbm>> -> memref<128xi32, #tpu.memory_space<hbm>>
        %dma_wait3A_40 = arith.constant 0 : i32
        %dma_wait3A_41 = tpu.memref_slice %arg3[%add3A_24, %dma_wait3A_40] : memref<2560x128xi32, #tpu.memory_space<hbm>> -> memref<1x128xi32, #tpu.memory_space<hbm>>
        %dma_wait3A_42 = tpu.memref_squeeze %dma_wait3A_41 : memref<1x128xi32, #tpu.memory_space<hbm>> -> memref<128xi32, #tpu.memory_space<hbm>>
        tpu.wait_dma2 semaphore(%run_scoped3A : memref<!tpu.dma_semaphore, #tpu.memory_space<semaphore_mem>>) src(%dma_wait3A_42 : memref<128xi32, #tpu.memory_space<hbm>>) dst(%arg8 : memref<128xi32, #tpu.memory_space<vmem>>)
        tpu.yield
      }) : () -> ()
      %dma_start3A = arith.constant 0 : i32
      %dma_start3A_25 = arith.constant 0 : i32
      %dma_start3A_26 = tpu.memref_slice %arg12[%dma_start3A, %dma_start3A_25] : memref<10240x32xf32, #tpu.memory_space<vmem_shared>> -> memref<10240x32xf32, #tpu.memory_space<vmem_shared>>
      tpu.enqueue_indirect_dma source(%dma_start3A_26 : memref<10240x32xf32, #tpu.memory_space<vmem_shared>>) target(%arg9 : memref<128x32xf32, #tpu.memory_space<vmem>>) offsets(%arg7 : memref<128xi32, #tpu.memory_space<vmem>>) semaphore(%arg11 : memref<!tpu.dma_semaphore, #tpu.memory_space<semaphore_mem>>)
      %dma_wait3A = arith.constant 0 : i32
      %dma_wait3A_27 = arith.constant 0 : i32
      %dma_wait3A_28 = tpu.memref_slice %arg12[%dma_wait3A, %dma_wait3A_27] : memref<10240x32xf32, #tpu.memory_space<vmem_shared>> -> memref<10240x32xf32, #tpu.memory_space<vmem_shared>>
      tpu.wait_indirect_dma semaphore(%arg11 : memref<!tpu.dma_semaphore, #tpu.memory_space<semaphore_mem>>) src(%dma_wait3A_28 : memref<10240x32xf32, #tpu.memory_space<vmem_shared>>) dst(%arg9 : memref<128x32xf32, #tpu.memory_space<vmem>>)
      %barrier3A_29 = arith.constant 0 : index
      tpu.barrier barrier_id(%barrier3A_29)
      "tpu.region"() ({
        %run_scoped3A = tpu.sem_alloc : memref<!tpu.dma_semaphore, #tpu.memory_space<semaphore_mem>>
        %dma_start3A_31 = arith.constant 0 : i32
        %dma_start3A_32 = arith.constant 0 : i32
        %dma_start3A_33 = tpu.memref_slice %arg10[%dma_start3A_31, %dma_start3A_32] : memref<10240x32xf32, #tpu.memory_space<vmem_shared>> -> memref<10240x32xf32, #tpu.memory_space<vmem_shared>>
        tpu.enqueue_indirect_dma source(%arg9 : memref<128x32xf32, #tpu.memory_space<vmem>>) target(%dma_start3A_33 : memref<10240x32xf32, #tpu.memory_space<vmem_shared>>) offsets(%arg8 : memref<128xi32, #tpu.memory_space<vmem>>) semaphore(%run_scoped3A : memref<!tpu.dma_semaphore, #tpu.memory_space<semaphore_mem>>) {add = true}
        %dma_wait3A_34 = arith.constant 0 : i32
        %dma_wait3A_35 = arith.constant 0 : i32
        %dma_wait3A_36 = tpu.memref_slice %arg10[%dma_wait3A_34, %dma_wait3A_35] : memref<10240x32xf32, #tpu.memory_space<vmem_shared>> -> memref<10240x32xf32, #tpu.memory_space<vmem_shared>>
        tpu.wait_indirect_dma semaphore(%run_scoped3A : memref<!tpu.dma_semaphore, #tpu.memory_space<semaphore_mem>>) src(%arg9 : memref<128x32xf32, #tpu.memory_space<vmem>>) dst(%dma_wait3A_36 : memref<10240x32xf32, #tpu.memory_space<vmem_shared>>)
        tpu.yield
      }) : () -> ()
      %scan3A_30 = arith.constant 0 : i32
      scf.yield %scan3A_30 : i32
    }
    %scan3A_16 = arith.constant 80 : i32
    %barrier3A_17 = arith.constant 0 : index
    tpu.barrier barrier_id(%barrier3A_17)
    %mul3A_18 = arith.constant 640 : i32
    %mul3A_19 = arith.muli %arg1, %mul3A_18 : i32
    %mul3A_20 = arith.constant 640 : i32
    %mul3A_21 = arith.muli %arg1, %mul3A_20 : i32
    "tpu.region"() ({
      %run_scoped3A = tpu.sem_alloc : memref<!tpu.dma_semaphore, #tpu.memory_space<semaphore_mem>>
      %dma_start3A = arith.constant 0 : i32
      %dma_start3A_22 = arith.constant 0 : i32
      %dma_start3A_23 = tpu.memref_slice %arg6[%arg0, %dma_start3A, %dma_start3A_22] : memref<2x10240x32xf32, #tpu.memory_space<hbm>> -> memref<1x10240x32xf32, #tpu.memory_space<hbm>>
      %dma_start3A_24 = tpu.memref_squeeze %dma_start3A_23 : memref<1x10240x32xf32, #tpu.memory_space<hbm>> -> memref<10240x32xf32, #tpu.memory_space<hbm>>
      %dma_start3A_25 = arith.constant 0 : i32
      %dma_start3A_26 = tpu.memref_slice %dma_start3A_24[%mul3A_21, %dma_start3A_25] : memref<10240x32xf32, #tpu.memory_space<hbm>> -> memref<640x32xf32, #tpu.memory_space<hbm>>
      %dma_start3A_27 = arith.constant 0 : i32
      %dma_start3A_28 = tpu.memref_slice %arg10[%mul3A_19, %dma_start3A_27] : memref<10240x32xf32, #tpu.memory_space<vmem_shared>> -> memref<640x32xf32, #tpu.memory_space<vmem_shared>>
      tpu.enqueue_dma source(%dma_start3A_28 : memref<640x32xf32, #tpu.memory_space<vmem_shared>>) target(%dma_start3A_26 : memref<640x32xf32, #tpu.memory_space<hbm>>) target_semaphore(%run_scoped3A : memref<!tpu.dma_semaphore, #tpu.memory_space<semaphore_mem>>)
      %dma_wait3A = arith.constant 0 : i32
      %dma_wait3A_29 = arith.constant 0 : i32
      %dma_wait3A_30 = tpu.memref_slice %arg6[%arg0, %dma_wait3A, %dma_wait3A_29] : memref<2x10240x32xf32, #tpu.memory_space<hbm>> -> memref<1x10240x32xf32, #tpu.memory_space<hbm>>
      %dma_wait3A_31 = tpu.memref_squeeze %dma_wait3A_30 : memref<1x10240x32xf32, #tpu.memory_space<hbm>> -> memref<10240x32xf32, #tpu.memory_space<hbm>>
      %dma_wait3A_32 = arith.constant 0 : i32
      %dma_wait3A_33 = tpu.memref_slice %dma_wait3A_31[%mul3A_21, %dma_wait3A_32] : memref<10240x32xf32, #tpu.memory_space<hbm>> -> memref<640x32xf32, #tpu.memory_space<hbm>>
      %dma_wait3A_34 = arith.constant 0 : i32
      %dma_wait3A_35 = tpu.memref_slice %arg10[%mul3A_19, %dma_wait3A_34] : memref<10240x32xf32, #tpu.memory_space<vmem_shared>> -> memref<640x32xf32, #tpu.memory_space<vmem_shared>>
      tpu.wait_dma2 semaphore(%run_scoped3A : memref<!tpu.dma_semaphore, #tpu.memory_space<semaphore_mem>>) src(%dma_wait3A_35 : memref<640x32xf32, #tpu.memory_space<vmem_shared>>) dst(%dma_wait3A_33 : memref<640x32xf32, #tpu.memory_space<hbm>>)
      tpu.yield
    }) : () -> ()
    return
  }
}

#map = affine_map<(d0, d1) -> (0, 0)>
#map1 = affine_map<(d0, d1) -> (0, 0, 0)>
module attributes {stable_mosaic.version = 14 : i64} {
  func.func @agg_kernel(%arg0: i32, %arg1: i32, %arg2: memref<2560x128xi32, #tpu.memory_space<hbm>>, %arg3: memref<2560x128xi32, #tpu.memory_space<hbm>>, %arg4: memref<10240x32xf32, #tpu.memory_space<hbm>>, %arg5: memref<10240x32xf32, #tpu.memory_space<hbm>>, %arg6: memref<2x10240x32xf32, #tpu.memory_space<hbm>>, %arg7: memref<128xi32, #tpu.memory_space<vmem>>, %arg8: memref<128xi32, #tpu.memory_space<vmem>>, %arg9: memref<128x32xf32, #tpu.memory_space<vmem>>, %arg10: memref<10240x32xf32, #tpu.memory_space<vmem_shared>>, %arg11: memref<!tpu.dma_semaphore, #tpu.memory_space<semaphore_mem>>, %arg12: memref<10240x32xf32, #tpu.memory_space<vmem_shared>>) attributes {dimension_semantics = [#tpu.dimension_semantics<core_parallel>, #tpu.dimension_semantics<subcore_parallel>], iteration_bounds = array<i64: 2, 16>, scalar_prefetch = 0 : i64, scratch_operands = 6 : i64, tpu.core_type = #tpu.core_type<sc_vector_subcore>, window_params = [{transform_indices = #map}, {transform_indices = #map}, {transform_indices = #map}, {transform_indices = #map}, {transform_indices = #map1}]} {
    %mul3A = arith.constant 640 : i32
    %mul3A_0 = arith.muli %arg1, %mul3A : i32
    %mul3A_1 = arith.constant 640 : i32
    %mul3A_2 = arith.muli %arg1, %mul3A_1 : i32
    "tpu.region"() ({
      %run_scoped3A = tpu.sem_alloc : memref<!tpu.dma_semaphore, #tpu.memory_space<semaphore_mem>>
      %dma_start3A = arith.constant 0 : i32
      %dma_start3A_22 = tpu.memref_slice %arg10[%mul3A_2, %dma_start3A] : memref<10240x32xf32, #tpu.memory_space<vmem_shared>> -> memref<640x32xf32, #tpu.memory_space<vmem_shared>>
      %dma_start3A_23 = arith.constant 0 : i32
      %dma_start3A_24 = tpu.memref_slice %arg5[%mul3A_0, %dma_start3A_23] : memref<10240x32xf32, #tpu.memory_space<hbm>> -> memref<640x32xf32, #tpu.memory_space<hbm>>
      tpu.enqueue_dma source(%dma_start3A_24 : memref<640x32xf32, #tpu.memory_space<hbm>>) target(%dma_start3A_22 : memref<640x32xf32, #tpu.memory_space<vmem_shared>>) target_semaphore(%run_scoped3A : memref<!tpu.dma_semaphore, #tpu.memory_space<semaphore_mem>>)
      %dma_wait3A = arith.constant 0 : i32
      %dma_wait3A_25 = tpu.memref_slice %arg10[%mul3A_2, %dma_wait3A] : memref<10240x32xf32, #tpu.memory_space<vmem_shared>> -> memref<640x32xf32, #tpu.memory_space<vmem_shared>>
      %dma_wait3A_26 = arith.constant 0 : i32
      %dma_wait3A_27 = tpu.memref_slice %arg5[%mul3A_0, %dma_wait3A_26] : memref<10240x32xf32, #tpu.memory_space<hbm>> -> memref<640x32xf32, #tpu.memory_space<hbm>>
      tpu.wait_dma2 semaphore(%run_scoped3A : memref<!tpu.dma_semaphore, #tpu.memory_space<semaphore_mem>>) src(%dma_wait3A_27 : memref<640x32xf32, #tpu.memory_space<hbm>>) dst(%dma_wait3A_25 : memref<640x32xf32, #tpu.memory_space<vmem_shared>>)
      tpu.yield
    }) : () -> ()
    %mul3A_3 = arith.constant 640 : i32
    %mul3A_4 = arith.muli %arg1, %mul3A_3 : i32
    %mul3A_5 = arith.constant 640 : i32
    %mul3A_6 = arith.muli %arg1, %mul3A_5 : i32
    "tpu.region"() ({
      %run_scoped3A = tpu.sem_alloc : memref<!tpu.dma_semaphore, #tpu.memory_space<semaphore_mem>>
      %dma_start3A = arith.constant 0 : i32
      %dma_start3A_22 = tpu.memref_slice %arg12[%mul3A_6, %dma_start3A] : memref<10240x32xf32, #tpu.memory_space<vmem_shared>> -> memref<640x32xf32, #tpu.memory_space<vmem_shared>>
      %dma_start3A_23 = arith.constant 0 : i32
      %dma_start3A_24 = tpu.memref_slice %arg4[%mul3A_4, %dma_start3A_23] : memref<10240x32xf32, #tpu.memory_space<hbm>> -> memref<640x32xf32, #tpu.memory_space<hbm>>
      tpu.enqueue_dma source(%dma_start3A_24 : memref<640x32xf32, #tpu.memory_space<hbm>>) target(%dma_start3A_22 : memref<640x32xf32, #tpu.memory_space<vmem_shared>>) target_semaphore(%run_scoped3A : memref<!tpu.dma_semaphore, #tpu.memory_space<semaphore_mem>>)
      %dma_wait3A = arith.constant 0 : i32
      %dma_wait3A_25 = tpu.memref_slice %arg12[%mul3A_6, %dma_wait3A] : memref<10240x32xf32, #tpu.memory_space<vmem_shared>> -> memref<640x32xf32, #tpu.memory_space<vmem_shared>>
      %dma_wait3A_26 = arith.constant 0 : i32
      %dma_wait3A_27 = tpu.memref_slice %arg4[%mul3A_4, %dma_wait3A_26] : memref<10240x32xf32, #tpu.memory_space<hbm>> -> memref<640x32xf32, #tpu.memory_space<hbm>>
      tpu.wait_dma2 semaphore(%run_scoped3A : memref<!tpu.dma_semaphore, #tpu.memory_space<semaphore_mem>>) src(%dma_wait3A_27 : memref<640x32xf32, #tpu.memory_space<hbm>>) dst(%dma_wait3A_25 : memref<640x32xf32, #tpu.memory_space<vmem_shared>>)
      tpu.yield
    }) : () -> ()
    %barrier3A = arith.constant 0 : index
    tpu.barrier barrier_id(%barrier3A)
    %mul3A_7 = arith.constant 2 : i32
    %mul3A_8 = arith.muli %arg1, %mul3A_7 : i32
    %add3A = arith.addi %mul3A_8, %arg0 : i32
    %mul3A_9 = arith.constant 80 : i32
    %mul3A_10 = arith.muli %add3A, %mul3A_9 : i32
    %scan3A = arith.constant 0 : i32
    %scan3A_11 = arith.constant 0 : i32
    %scan3A_12 = arith.constant 80 : i32
    %scan3A_13 = arith.addi %scan3A_11, %scan3A_12 : i32
    %scan3A_14 = arith.constant 1 : i32
    %scan3A_15 = scf.for %scan3A_22 = %scan3A_11 to %scan3A_13 step %scan3A_14 iter_args(%scan3A_23 = %scan3A) -> (i32)  : i32 {
      %add3A_24 = arith.addi %mul3A_10, %scan3A_22 : i32
      "tpu.region"() ({
        %run_scoped3A = tpu.sem_alloc : memref<!tpu.dma_semaphore, #tpu.memory_space<semaphore_mem>>
        %dma_start3A_31 = arith.constant 0 : i32
        %dma_start3A_32 = tpu.memref_slice %arg2[%add3A_24, %dma_start3A_31] : memref<2560x128xi32, #tpu.memory_space<hbm>> -> memref<1x128xi32, #tpu.memory_space<hbm>>
        %dma_start3A_33 = tpu.memref_squeeze %dma_start3A_32 : memref<1x128xi32, #tpu.memory_space<hbm>> -> memref<128xi32, #tpu.memory_space<hbm>>
        %dma_start3A_34 = arith.constant 0 : i32
        %dma_start3A_35 = tpu.memref_slice %arg2[%add3A_24, %dma_start3A_34] : memref<2560x128xi32, #tpu.memory_space<hbm>> -> memref<1x128xi32, #tpu.memory_space<hbm>>
        %dma_start3A_36 = tpu.memref_squeeze %dma_start3A_35 : memref<1x128xi32, #tpu.memory_space<hbm>> -> memref<128xi32, #tpu.memory_space<hbm>>
        tpu.enqueue_dma source(%dma_start3A_36 : memref<128xi32, #tpu.memory_space<hbm>>) target(%arg7 : memref<128xi32, #tpu.memory_space<vmem>>) target_semaphore(%run_scoped3A : memref<!tpu.dma_semaphore, #tpu.memory_space<semaphore_mem>>)
        %dma_wait3A_37 = arith.constant 0 : i32
        %dma_wait3A_38 = tpu.memref_slice %arg2[%add3A_24, %dma_wait3A_37] : memref<2560x128xi32, #tpu.memory_space<hbm>> -> memref<1x128xi32, #tpu.memory_space<hbm>>
        %dma_wait3A_39 = tpu.memref_squeeze %dma_wait3A_38 : memref<1x128xi32, #tpu.memory_space<hbm>> -> memref<128xi32, #tpu.memory_space<hbm>>
        %dma_wait3A_40 = arith.constant 0 : i32
        %dma_wait3A_41 = tpu.memref_slice %arg2[%add3A_24, %dma_wait3A_40] : memref<2560x128xi32, #tpu.memory_space<hbm>> -> memref<1x128xi32, #tpu.memory_space<hbm>>
        %dma_wait3A_42 = tpu.memref_squeeze %dma_wait3A_41 : memref<1x128xi32, #tpu.memory_space<hbm>> -> memref<128xi32, #tpu.memory_space<hbm>>
        tpu.wait_dma2 semaphore(%run_scoped3A : memref<!tpu.dma_semaphore, #tpu.memory_space<semaphore_mem>>) src(%dma_wait3A_42 : memref<128xi32, #tpu.memory_space<hbm>>) dst(%arg7 : memref<128xi32, #tpu.memory_space<vmem>>)
        tpu.yield
      }) : () -> ()
      "tpu.region"() ({
        %run_scoped3A = tpu.sem_alloc : memref<!tpu.dma_semaphore, #tpu.memory_space<semaphore_mem>>
        %dma_start3A_31 = arith.constant 0 : i32
        %dma_start3A_32 = tpu.memref_slice %arg3[%add3A_24, %dma_start3A_31] : memref<2560x128xi32, #tpu.memory_space<hbm>> -> memref<1x128xi32, #tpu.memory_space<hbm>>
        %dma_start3A_33 = tpu.memref_squeeze %dma_start3A_32 : memref<1x128xi32, #tpu.memory_space<hbm>> -> memref<128xi32, #tpu.memory_space<hbm>>
        %dma_start3A_34 = arith.constant 0 : i32
        %dma_start3A_35 = tpu.memref_slice %arg3[%add3A_24, %dma_start3A_34] : memref<2560x128xi32, #tpu.memory_space<hbm>> -> memref<1x128xi32, #tpu.memory_space<hbm>>
        %dma_start3A_36 = tpu.memref_squeeze %dma_start3A_35 : memref<1x128xi32, #tpu.memory_space<hbm>> -> memref<128xi32, #tpu.memory_space<hbm>>
        tpu.enqueue_dma source(%dma_start3A_36 : memref<128xi32, #tpu.memory_space<hbm>>) target(%arg8 : memref<128xi32, #tpu.memory_space<vmem>>) target_semaphore(%run_scoped3A : memref<!tpu.dma_semaphore, #tpu.memory_space<semaphore_mem>>)
        %dma_wait3A_37 = arith.constant 0 : i32
        %dma_wait3A_38 = tpu.memref_slice %arg3[%add3A_24, %dma_wait3A_37] : memref<2560x128xi32, #tpu.memory_space<hbm>> -> memref<1x128xi32, #tpu.memory_space<hbm>>
        %dma_wait3A_39 = tpu.memref_squeeze %dma_wait3A_38 : memref<1x128xi32, #tpu.memory_space<hbm>> -> memref<128xi32, #tpu.memory_space<hbm>>
        %dma_wait3A_40 = arith.constant 0 : i32
        %dma_wait3A_41 = tpu.memref_slice %arg3[%add3A_24, %dma_wait3A_40] : memref<2560x128xi32, #tpu.memory_space<hbm>> -> memref<1x128xi32, #tpu.memory_space<hbm>>
        %dma_wait3A_42 = tpu.memref_squeeze %dma_wait3A_41 : memref<1x128xi32, #tpu.memory_space<hbm>> -> memref<128xi32, #tpu.memory_space<hbm>>
        tpu.wait_dma2 semaphore(%run_scoped3A : memref<!tpu.dma_semaphore, #tpu.memory_space<semaphore_mem>>) src(%dma_wait3A_42 : memref<128xi32, #tpu.memory_space<hbm>>) dst(%arg8 : memref<128xi32, #tpu.memory_space<vmem>>)
        tpu.yield
      }) : () -> ()
      %dma_start3A = arith.constant 0 : i32
      %dma_start3A_25 = arith.constant 0 : i32
      %dma_start3A_26 = tpu.memref_slice %arg12[%dma_start3A, %dma_start3A_25] : memref<10240x32xf32, #tpu.memory_space<vmem_shared>> -> memref<10240x32xf32, #tpu.memory_space<vmem_shared>>
      tpu.enqueue_indirect_dma source(%dma_start3A_26 : memref<10240x32xf32, #tpu.memory_space<vmem_shared>>) target(%arg9 : memref<128x32xf32, #tpu.memory_space<vmem>>) offsets(%arg7 : memref<128xi32, #tpu.memory_space<vmem>>) semaphore(%arg11 : memref<!tpu.dma_semaphore, #tpu.memory_space<semaphore_mem>>)
      %dma_wait3A = arith.constant 0 : i32
      %dma_wait3A_27 = arith.constant 0 : i32
      %dma_wait3A_28 = tpu.memref_slice %arg12[%dma_wait3A, %dma_wait3A_27] : memref<10240x32xf32, #tpu.memory_space<vmem_shared>> -> memref<10240x32xf32, #tpu.memory_space<vmem_shared>>
      tpu.wait_indirect_dma semaphore(%arg11 : memref<!tpu.dma_semaphore, #tpu.memory_space<semaphore_mem>>) src(%dma_wait3A_28 : memref<10240x32xf32, #tpu.memory_space<vmem_shared>>) dst(%arg9 : memref<128x32xf32, #tpu.memory_space<vmem>>)
      %barrier3A_29 = arith.constant 0 : index
      tpu.barrier barrier_id(%barrier3A_29)
      "tpu.region"() ({
        %run_scoped3A = tpu.sem_alloc : memref<!tpu.dma_semaphore, #tpu.memory_space<semaphore_mem>>
        %dma_start3A_31 = arith.constant 0 : i32
        %dma_start3A_32 = arith.constant 0 : i32
        %dma_start3A_33 = tpu.memref_slice %arg10[%dma_start3A_31, %dma_start3A_32] : memref<10240x32xf32, #tpu.memory_space<vmem_shared>> -> memref<10240x32xf32, #tpu.memory_space<vmem_shared>>
        tpu.enqueue_indirect_dma source(%arg9 : memref<128x32xf32, #tpu.memory_space<vmem>>) target(%dma_start3A_33 : memref<10240x32xf32, #tpu.memory_space<vmem_shared>>) offsets(%arg8 : memref<128xi32, #tpu.memory_space<vmem>>) semaphore(%run_scoped3A : memref<!tpu.dma_semaphore, #tpu.memory_space<semaphore_mem>>) {add = true}
        %dma_wait3A_34 = arith.constant 0 : i32
        %dma_wait3A_35 = arith.constant 0 : i32
        %dma_wait3A_36 = tpu.memref_slice %arg10[%dma_wait3A_34, %dma_wait3A_35] : memref<10240x32xf32, #tpu.memory_space<vmem_shared>> -> memref<10240x32xf32, #tpu.memory_space<vmem_shared>>
        tpu.wait_indirect_dma semaphore(%run_scoped3A : memref<!tpu.dma_semaphore, #tpu.memory_space<semaphore_mem>>) src(%arg9 : memref<128x32xf32, #tpu.memory_space<vmem>>) dst(%dma_wait3A_36 : memref<10240x32xf32, #tpu.memory_space<vmem_shared>>)
        tpu.yield
      }) : () -> ()
      %scan3A_30 = arith.constant 0 : i32
      scf.yield %scan3A_30 : i32
    }
    %scan3A_16 = arith.constant 80 : i32
    %barrier3A_17 = arith.constant 0 : index
    tpu.barrier barrier_id(%barrier3A_17)
    %mul3A_18 = arith.constant 640 : i32
    %mul3A_19 = arith.muli %arg1, %mul3A_18 : i32
    %mul3A_20 = arith.constant 640 : i32
    %mul3A_21 = arith.muli %arg1, %mul3A_20 : i32
    "tpu.region"() ({
      %run_scoped3A = tpu.sem_alloc : memref<!tpu.dma_semaphore, #tpu.memory_space<semaphore_mem>>
      %dma_start3A = arith.constant 0 : i32
      %dma_start3A_22 = arith.constant 0 : i32
      %dma_start3A_23 = tpu.memref_slice %arg6[%arg0, %dma_start3A, %dma_start3A_22] : memref<2x10240x32xf32, #tpu.memory_space<hbm>> -> memref<1x10240x32xf32, #tpu.memory_space<hbm>>
      %dma_start3A_24 = tpu.memref_squeeze %dma_start3A_23 : memref<1x10240x32xf32, #tpu.memory_space<hbm>> -> memref<10240x32xf32, #tpu.memory_space<hbm>>
      %dma_start3A_25 = arith.constant 0 : i32
      %dma_start3A_26 = tpu.memref_slice %dma_start3A_24[%mul3A_21, %dma_start3A_25] : memref<10240x32xf32, #tpu.memory_space<hbm>> -> memref<640x32xf32, #tpu.memory_space<hbm>>
      %dma_start3A_27 = arith.constant 0 : i32
      %dma_start3A_28 = tpu.memref_slice %arg10[%mul3A_19, %dma_start3A_27] : memref<10240x32xf32, #tpu.memory_space<vmem_shared>> -> memref<640x32xf32, #tpu.memory_space<vmem_shared>>
      tpu.enqueue_dma source(%dma_start3A_28 : memref<640x32xf32, #tpu.memory_space<vmem_shared>>) target(%dma_start3A_26 : memref<640x32xf32, #tpu.memory_space<hbm>>) target_semaphore(%run_scoped3A : memref<!tpu.dma_semaphore, #tpu.memory_space<semaphore_mem>>)
      %dma_wait3A = arith.constant 0 : i32
      %dma_wait3A_29 = arith.constant 0 : i32
      %dma_wait3A_30 = tpu.memref_slice %arg6[%arg0, %dma_wait3A, %dma_wait3A_29] : memref<2x10240x32xf32, #tpu.memory_space<hbm>> -> memref<1x10240x32xf32, #tpu.memory_space<hbm>>
      %dma_wait3A_31 = tpu.memref_squeeze %dma_wait3A_30 : memref<1x10240x32xf32, #tpu.memory_space<hbm>> -> memref<10240x32xf32, #tpu.memory_space<hbm>>
      %dma_wait3A_32 = arith.constant 0 : i32
      %dma_wait3A_33 = tpu.memref_slice %dma_wait3A_31[%mul3A_21, %dma_wait3A_32] : memref<10240x32xf32, #tpu.memory_space<hbm>> -> memref<640x32xf32, #tpu.memory_space<hbm>>
      %dma_wait3A_34 = arith.constant 0 : i32
      %dma_wait3A_35 = tpu.memref_slice %arg10[%mul3A_19, %dma_wait3A_34] : memref<10240x32xf32, #tpu.memory_space<vmem_shared>> -> memref<640x32xf32, #tpu.memory_space<vmem_shared>>
      tpu.wait_dma2 semaphore(%run_scoped3A : memref<!tpu.dma_semaphore, #tpu.memory_space<semaphore_mem>>) src(%dma_wait3A_35 : memref<640x32xf32, #tpu.memory_space<vmem_shared>>) dst(%dma_wait3A_33 : memref<640x32xf32, #tpu.memory_space<hbm>>)
      tpu.yield
    }) : () -> ()
    return
  }
}

module attributes {stable_mosaic.version = 14 : i64} {
  func.func @body(%arg0: i32, %arg1: memref<2x512x16xf32, #tpu.memory_space<vmem>>, %arg2: memref<512x128xf32, #tpu.memory_space<vmem>>, %arg3: memref<512x1xf32, #tpu.memory_space<vmem>>, %arg4: memref<512x128xf32, #tpu.memory_space<vmem>>) attributes {dimension_semantics = [#tpu.dimension_semantics<arbitrary>], iteration_bounds = array<i64: 20>, scalar_prefetch = 0 : i64, scratch_operands = 0 : i64, tpu.core_type = #tpu.core_type<tc>, window_params = [{transform_indices = @transform_0, window_bounds = array<i64: 2, 512, 16>}, {transform_indices = @transform_1, window_bounds = array<i64: 512, 128>}, {transform_indices = @transform_2, window_bounds = array<i64: 512, 1>}, {transform_indices = @transform_3, window_bounds = array<i64: 512, 128>}]} {
    %get3A = arith.constant 0 : index
    %get3A_0 = arith.constant 0 : index
    %get3A_1 = arith.constant 0 : index
    %get3A_2 = vector.load %arg1[%get3A, %get3A_0, %get3A_1] : memref<2x512x16xf32, #tpu.memory_space<vmem>>, vector<1x512x1xf32>
    %get3A_3 = vector.shape_cast %get3A_2 : vector<1x512x1xf32> to vector<512x1xf32>
    %get3A_4 = arith.constant 1 : index
    %get3A_5 = arith.constant 0 : index
    %get3A_6 = arith.constant 0 : index
    %get3A_7 = vector.load %arg1[%get3A_4, %get3A_5, %get3A_6] : memref<2x512x16xf32, #tpu.memory_space<vmem>>, vector<1x512x1xf32>
    %get3A_8 = vector.shape_cast %get3A_7 : vector<1x512x1xf32> to vector<512x1xf32>
    %add3A = arith.addf %get3A_3, %get3A_8 : vector<512x1xf32>
    %add3A_9 = arith.constant 1.000000e+00 : f32
    %add3A_10 = vector.broadcast %add3A_9 : f32 to vector<512x1xf32>
    %add3A_11 = arith.addf %add3A, %add3A_10 : vector<512x1xf32>
    %rsqrt3A = math.rsqrt %add3A_11 : vector<512x1xf32>
    %swap3A = arith.constant 0 : index
    %swap3A_12 = arith.constant 0 : index
    %swap3A_13 = vector.load %arg3[%swap3A, %swap3A_12] : memref<512x1xf32, #tpu.memory_space<vmem>>, vector<512x1xf32>
    tpu.vector_store %arg3[%swap3A, %swap3A_12], %rsqrt3A {strides = array<i32>} : memref<512x1xf32, #tpu.memory_space<vmem>>, vector<512x1xf32>,
    %get3A_14 = arith.constant 0 : index
    %get3A_15 = arith.constant 0 : index
    %get3A_16 = vector.load %arg2[%get3A_14, %get3A_15] : memref<512x128xf32, #tpu.memory_space<vmem>>, vector<512x128xf32>
    %mul3A = vector.broadcast %rsqrt3A : vector<512x1xf32> to vector<512x128xf32>
    %mul3A_17 = arith.mulf %get3A_16, %mul3A : vector<512x128xf32>
    %swap3A_18 = arith.constant 0 : index
    %swap3A_19 = arith.constant 0 : index
    %swap3A_20 = vector.load %arg4[%swap3A_18, %swap3A_19] : memref<512x128xf32, #tpu.memory_space<vmem>>, vector<512x128xf32>
    tpu.vector_store %arg4[%swap3A_18, %swap3A_19], %mul3A_17 {strides = array<i32>} : memref<512x128xf32, #tpu.memory_space<vmem>>, vector<512x128xf32>,
    return
  }
  func.func @transform_0(%arg0: i32) -> (i32, i32, i32) {
    %c0_i32 = arith.constant 0 : i32
    %c0_i32_0 = arith.constant 0 : i32
    %c0_i32_1 = arith.constant 0 : i32
    return %c0_i32, %arg0, %c0_i32_0 : i32, i32, i32
  }
  func.func @transform_1(%arg0: i32) -> (i32, i32) {
    %c0_i32 = arith.constant 0 : i32
    %c0_i32_0 = arith.constant 0 : i32
    return %arg0, %c0_i32 : i32, i32
  }
  func.func @transform_2(%arg0: i32) -> (i32, i32) {
    %c0_i32 = arith.constant 0 : i32
    %c0_i32_0 = arith.constant 0 : i32
    return %arg0, %c0_i32 : i32, i32
  }
  func.func @transform_3(%arg0: i32) -> (i32, i32) {
    %c0_i32 = arith.constant 0 : i32
    %c0_i32_0 = arith.constant 0 : i32
    return %arg0, %c0_i32 : i32, i32
  }
}

module attributes {stable_mosaic.version = 14 : i64} {
  func.func @body(%arg0: i32, %arg1: memref<2x512x128xf32, #tpu.memory_space<vmem>>, %arg2: memref<512x128xf32, #tpu.memory_space<vmem>>, %arg3: memref<512x1xf32, #tpu.memory_space<vmem>>, %arg4: memref<128x256xf32, #tpu.memory_space<vmem>>, %arg5: memref<1x256xf32, #tpu.memory_space<vmem>>, %arg6: memref<256x32xf32, #tpu.memory_space<vmem>>, %arg7: memref<512x32xf32, #tpu.memory_space<vmem>>) attributes {dimension_semantics = [#tpu.dimension_semantics<arbitrary>], iteration_bounds = array<i64: 20>, scalar_prefetch = 0 : i64, scratch_operands = 0 : i64, tpu.core_type = #tpu.core_type<tc>, window_params = [{transform_indices = @transform_0, window_bounds = array<i64: 2, 512, 128>}, {transform_indices = @transform_1, window_bounds = array<i64: 512, 128>}, {transform_indices = @transform_2, window_bounds = array<i64: 512, 1>}, {pipeline_mode = #tpu.pipeline_mode<synchronous>, transform_indices = @transform_3, window_bounds = array<i64: 128, 256>}, {pipeline_mode = #tpu.pipeline_mode<synchronous>, transform_indices = @transform_4, window_bounds = array<i64: 1, 256>}, {pipeline_mode = #tpu.pipeline_mode<synchronous>, transform_indices = @transform_5, window_bounds = array<i64: 256, 32>}, {transform_indices = @transform_6, window_bounds = array<i64: 512, 32>}]} {
    %get3A = arith.constant 0 : index
    %get3A_0 = arith.constant 0 : index
    %get3A_1 = vector.load %arg3[%get3A, %get3A_0] : memref<512x1xf32, #tpu.memory_space<vmem>>, vector<512x1xf32>
    %get3A_2 = arith.constant 0 : index
    %get3A_3 = arith.constant 0 : index
    %get3A_4 = arith.constant 0 : index
    %get3A_5 = vector.load %arg1[%get3A_2, %get3A_3, %get3A_4] : memref<2x512x128xf32, #tpu.memory_space<vmem>>, vector<1x512x128xf32>
    %get3A_6 = vector.shape_cast %get3A_5 : vector<1x512x128xf32> to vector<512x128xf32>
    %get3A_7 = arith.constant 1 : index
    %get3A_8 = arith.constant 0 : index
    %get3A_9 = arith.constant 0 : index
    %get3A_10 = vector.load %arg1[%get3A_7, %get3A_8, %get3A_9] : memref<2x512x128xf32, #tpu.memory_space<vmem>>, vector<1x512x128xf32>
    %get3A_11 = vector.shape_cast %get3A_10 : vector<1x512x128xf32> to vector<512x128xf32>
    %add3A = arith.addf %get3A_6, %get3A_11 : vector<512x128xf32>
    %get3A_12 = arith.constant 0 : index
    %get3A_13 = arith.constant 0 : index
    %get3A_14 = vector.load %arg2[%get3A_12, %get3A_13] : memref<512x128xf32, #tpu.memory_space<vmem>>, vector<512x128xf32>
    %add3A_15 = arith.addf %add3A, %get3A_14 : vector<512x128xf32>
    %mul3A = vector.broadcast %get3A_1 : vector<512x1xf32> to vector<512x128xf32>
    %mul3A_16 = arith.mulf %add3A_15, %mul3A : vector<512x128xf32>
    %get3A_17 = arith.constant 0 : index
    %get3A_18 = arith.constant 0 : index
    %get3A_19 = vector.load %arg4[%get3A_17, %get3A_18] : memref<128x256xf32, #tpu.memory_space<vmem>>, vector<128x256xf32>
    %dot_general3A = arith.constant dense<0.000000e+00> : vector<512x256xf32>
    %dot_general3A_20 = tpu.matmul %mul3A_16, %get3A_19, %dot_general3A {dimension_numbers = #tpu.dot_dimension_numbers<[1], [0], [0], [1], [0, 0, 1, 1], [], []>, transpose_lhs_hint = false} : vector<512x128xf32>, vector<128x256xf32>, vector<512x256xf32> -> vector<512x256xf32>
    %get3A_21 = arith.constant 0 : index
    %get3A_22 = arith.constant 0 : index
    %get3A_23 = vector.load %arg5[%get3A_21, %get3A_22] : memref<1x256xf32, #tpu.memory_space<vmem>>, vector<1x256xf32>
    %add3A_24 = vector.broadcast %get3A_23 : vector<1x256xf32> to vector<512x256xf32>
    %add3A_25 = arith.addf %dot_general3A_20, %add3A_24 : vector<512x256xf32>
    %max3A = arith.constant 0.000000e+00 : f32
    %max3A_26 = vector.broadcast %max3A : f32 to vector<512x256xf32>
    %max3A_27 = arith.maximumf %add3A_25, %max3A_26 : vector<512x256xf32>
    %get3A_28 = arith.constant 0 : index
    %get3A_29 = arith.constant 0 : index
    %get3A_30 = vector.load %arg6[%get3A_28, %get3A_29] : memref<256x32xf32, #tpu.memory_space<vmem>>, vector<256x32xf32>
    %dot_general3A_31 = arith.constant dense<0.000000e+00> : vector<512x32xf32>
    %dot_general3A_32 = tpu.matmul %max3A_27, %get3A_30, %dot_general3A_31 {dimension_numbers = #tpu.dot_dimension_numbers<[1], [0], [0], [1], [0, 0, 1, 1], [], []>, transpose_lhs_hint = false} : vector<512x256xf32>, vector<256x32xf32>, vector<512x32xf32> -> vector<512x32xf32>
    %mul3A_33 = vector.broadcast %get3A_1 : vector<512x1xf32> to vector<512x32xf32>
    %mul3A_34 = arith.mulf %dot_general3A_32, %mul3A_33 : vector<512x32xf32>
    %swap3A = arith.constant 0 : index
    %swap3A_35 = arith.constant 0 : index
    %swap3A_36 = vector.load %arg7[%swap3A, %swap3A_35] : memref<512x32xf32, #tpu.memory_space<vmem>>, vector<512x32xf32>
    tpu.vector_store %arg7[%swap3A, %swap3A_35], %mul3A_34 {strides = array<i32>} : memref<512x32xf32, #tpu.memory_space<vmem>>, vector<512x32xf32>,
    return
  }
  func.func @transform_0(%arg0: i32) -> (i32, i32, i32) {
    %c0_i32 = arith.constant 0 : i32
    %c0_i32_0 = arith.constant 0 : i32
    %c0_i32_1 = arith.constant 0 : i32
    return %c0_i32, %arg0, %c0_i32_0 : i32, i32, i32
  }
  func.func @transform_1(%arg0: i32) -> (i32, i32) {
    %c0_i32 = arith.constant 0 : i32
    %c0_i32_0 = arith.constant 0 : i32
    return %arg0, %c0_i32 : i32, i32
  }
  func.func @transform_2(%arg0: i32) -> (i32, i32) {
    %c0_i32 = arith.constant 0 : i32
    %c0_i32_0 = arith.constant 0 : i32
    return %arg0, %c0_i32 : i32, i32
  }
  func.func @transform_3(%arg0: i32) -> (i32, i32) {
    %c0_i32 = arith.constant 0 : i32
    %c0_i32_0 = arith.constant 0 : i32
    %c0_i32_1 = arith.constant 0 : i32
    return %c0_i32, %c0_i32_0 : i32, i32
  }
  func.func @transform_4(%arg0: i32) -> (i32, i32) {
    %c0_i32 = arith.constant 0 : i32
    %c0_i32_0 = arith.constant 0 : i32
    %c0_i32_1 = arith.constant 0 : i32
    return %c0_i32, %c0_i32_0 : i32, i32
  }
  func.func @transform_5(%arg0: i32) -> (i32, i32) {
    %c0_i32 = arith.constant 0 : i32
    %c0_i32_0 = arith.constant 0 : i32
    %c0_i32_1 = arith.constant 0 : i32
    return %c0_i32, %c0_i32_0 : i32, i32
  }
  func.func @transform_6(%arg0: i32) -> (i32, i32) {
    %c0_i32 = arith.constant 0 : i32
    %c0_i32_0 = arith.constant 0 : i32
    return %arg0, %c0_i32 : i32, i32
  }
}

module attributes {stable_mosaic.version = 14 : i64} {
  func.func @body(%arg0: i32, %arg1: memref<2x512x32xf32, #tpu.memory_space<vmem>>, %arg2: memref<512x32xf32, #tpu.memory_space<vmem>>, %arg3: memref<512x1xf32, #tpu.memory_space<vmem>>, %arg4: memref<1x32xf32, #tpu.memory_space<vmem>>, %arg5: memref<512x32xf32, #tpu.memory_space<vmem>>) attributes {dimension_semantics = [#tpu.dimension_semantics<arbitrary>], iteration_bounds = array<i64: 20>, scalar_prefetch = 0 : i64, scratch_operands = 0 : i64, tpu.core_type = #tpu.core_type<tc>, window_params = [{transform_indices = @transform_0, window_bounds = array<i64: 2, 512, 32>}, {transform_indices = @transform_1, window_bounds = array<i64: 512, 32>}, {transform_indices = @transform_2, window_bounds = array<i64: 512, 1>}, {pipeline_mode = #tpu.pipeline_mode<synchronous>, transform_indices = @transform_3, window_bounds = array<i64: 1, 32>}, {transform_indices = @transform_4, window_bounds = array<i64: 512, 32>}]} {
    %get3A = arith.constant 0 : index
    %get3A_0 = arith.constant 0 : index
    %get3A_1 = vector.load %arg3[%get3A, %get3A_0] : memref<512x1xf32, #tpu.memory_space<vmem>>, vector<512x1xf32>
    %get3A_2 = arith.constant 0 : index
    %get3A_3 = arith.constant 0 : index
    %get3A_4 = arith.constant 0 : index
    %get3A_5 = vector.load %arg1[%get3A_2, %get3A_3, %get3A_4] : memref<2x512x32xf32, #tpu.memory_space<vmem>>, vector<1x512x32xf32>
    %get3A_6 = vector.shape_cast %get3A_5 : vector<1x512x32xf32> to vector<512x32xf32>
    %get3A_7 = arith.constant 1 : index
    %get3A_8 = arith.constant 0 : index
    %get3A_9 = arith.constant 0 : index
    %get3A_10 = vector.load %arg1[%get3A_7, %get3A_8, %get3A_9] : memref<2x512x32xf32, #tpu.memory_space<vmem>>, vector<1x512x32xf32>
    %get3A_11 = vector.shape_cast %get3A_10 : vector<1x512x32xf32> to vector<512x32xf32>
    %add3A = arith.addf %get3A_6, %get3A_11 : vector<512x32xf32>
    %get3A_12 = arith.constant 0 : index
    %get3A_13 = arith.constant 0 : index
    %get3A_14 = vector.load %arg2[%get3A_12, %get3A_13] : memref<512x32xf32, #tpu.memory_space<vmem>>, vector<512x32xf32>
    %add3A_15 = arith.addf %add3A, %get3A_14 : vector<512x32xf32>
    %mul3A = vector.broadcast %get3A_1 : vector<512x1xf32> to vector<512x32xf32>
    %mul3A_16 = arith.mulf %add3A_15, %mul3A : vector<512x32xf32>
    %get3A_17 = arith.constant 0 : index
    %get3A_18 = arith.constant 0 : index
    %get3A_19 = vector.load %arg4[%get3A_17, %get3A_18] : memref<1x32xf32, #tpu.memory_space<vmem>>, vector<1x32xf32>
    %add3A_20 = vector.broadcast %get3A_19 : vector<1x32xf32> to vector<512x32xf32>
    %add3A_21 = arith.addf %mul3A_16, %add3A_20 : vector<512x32xf32>
    %max3A = arith.constant 0.000000e+00 : f32
    %max3A_22 = vector.broadcast %max3A : f32 to vector<512x32xf32>
    %max3A_23 = arith.maximumf %add3A_21, %max3A_22 : vector<512x32xf32>
    %mul3A_24 = vector.broadcast %get3A_1 : vector<512x1xf32> to vector<512x32xf32>
    %mul3A_25 = arith.mulf %max3A_23, %mul3A_24 : vector<512x32xf32>
    %swap3A = arith.constant 0 : index
    %swap3A_26 = arith.constant 0 : index
    %swap3A_27 = vector.load %arg5[%swap3A, %swap3A_26] : memref<512x32xf32, #tpu.memory_space<vmem>>, vector<512x32xf32>
    tpu.vector_store %arg5[%swap3A, %swap3A_26], %mul3A_25 {strides = array<i32>} : memref<512x32xf32, #tpu.memory_space<vmem>>, vector<512x32xf32>,
    return
  }
  func.func @transform_0(%arg0: i32) -> (i32, i32, i32) {
    %c0_i32 = arith.constant 0 : i32
    %c0_i32_0 = arith.constant 0 : i32
    %c0_i32_1 = arith.constant 0 : i32
    return %c0_i32, %arg0, %c0_i32_0 : i32, i32, i32
  }
  func.func @transform_1(%arg0: i32) -> (i32, i32) {
    %c0_i32 = arith.constant 0 : i32
    %c0_i32_0 = arith.constant 0 : i32
    return %arg0, %c0_i32 : i32, i32
  }
  func.func @transform_2(%arg0: i32) -> (i32, i32) {
    %c0_i32 = arith.constant 0 : i32
    %c0_i32_0 = arith.constant 0 : i32
    return %arg0, %c0_i32 : i32, i32
  }
  func.func @transform_3(%arg0: i32) -> (i32, i32) {
    %c0_i32 = arith.constant 0 : i32
    %c0_i32_0 = arith.constant 0 : i32
    %c0_i32_1 = arith.constant 0 : i32
    return %c0_i32, %c0_i32_0 : i32, i32
  }
  func.func @transform_4(%arg0: i32) -> (i32, i32) {
    %c0_i32 = arith.constant 0 : i32
    %c0_i32_0 = arith.constant 0 : i32
    return %arg0, %c0_i32 : i32, i32
  }
}

module attributes {stable_mosaic.version = 14 : i64} {
  func.func @body(%arg0: i32, %arg1: memref<2x512x32xf32, #tpu.memory_space<vmem>>, %arg2: memref<512x32xf32, #tpu.memory_space<vmem>>, %arg3: memref<512x1xf32, #tpu.memory_space<vmem>>, %arg4: memref<32x40xf32, #tpu.memory_space<vmem>>, %arg5: memref<1x40xf32, #tpu.memory_space<vmem>>, %arg6: memref<512x40xf32, #tpu.memory_space<vmem>>) attributes {dimension_semantics = [#tpu.dimension_semantics<arbitrary>], iteration_bounds = array<i64: 20>, scalar_prefetch = 0 : i64, scratch_operands = 0 : i64, tpu.core_type = #tpu.core_type<tc>, window_params = [{transform_indices = @transform_0, window_bounds = array<i64: 2, 512, 32>}, {transform_indices = @transform_1, window_bounds = array<i64: 512, 32>}, {transform_indices = @transform_2, window_bounds = array<i64: 512, 1>}, {pipeline_mode = #tpu.pipeline_mode<synchronous>, transform_indices = @transform_3, window_bounds = array<i64: 32, 40>}, {pipeline_mode = #tpu.pipeline_mode<synchronous>, transform_indices = @transform_4, window_bounds = array<i64: 1, 40>}, {transform_indices = @transform_5, window_bounds = array<i64: 512, 40>}]} {
    %get3A = arith.constant 0 : index
    %get3A_0 = arith.constant 0 : index
    %get3A_1 = arith.constant 0 : index
    %get3A_2 = vector.load %arg1[%get3A, %get3A_0, %get3A_1] : memref<2x512x32xf32, #tpu.memory_space<vmem>>, vector<1x512x32xf32>
    %get3A_3 = vector.shape_cast %get3A_2 : vector<1x512x32xf32> to vector<512x32xf32>
    %get3A_4 = arith.constant 1 : index
    %get3A_5 = arith.constant 0 : index
    %get3A_6 = arith.constant 0 : index
    %get3A_7 = vector.load %arg1[%get3A_4, %get3A_5, %get3A_6] : memref<2x512x32xf32, #tpu.memory_space<vmem>>, vector<1x512x32xf32>
    %get3A_8 = vector.shape_cast %get3A_7 : vector<1x512x32xf32> to vector<512x32xf32>
    %add3A = arith.addf %get3A_3, %get3A_8 : vector<512x32xf32>
    %get3A_9 = arith.constant 0 : index
    %get3A_10 = arith.constant 0 : index
    %get3A_11 = vector.load %arg2[%get3A_9, %get3A_10] : memref<512x32xf32, #tpu.memory_space<vmem>>, vector<512x32xf32>
    %add3A_12 = arith.addf %add3A, %get3A_11 : vector<512x32xf32>
    %get3A_13 = arith.constant 0 : index
    %get3A_14 = arith.constant 0 : index
    %get3A_15 = vector.load %arg3[%get3A_13, %get3A_14] : memref<512x1xf32, #tpu.memory_space<vmem>>, vector<512x1xf32>
    %mul3A = vector.broadcast %get3A_15 : vector<512x1xf32> to vector<512x32xf32>
    %mul3A_16 = arith.mulf %add3A_12, %mul3A : vector<512x32xf32>
    %get3A_17 = arith.constant 0 : index
    %get3A_18 = arith.constant 0 : index
    %get3A_19 = vector.load %arg4[%get3A_17, %get3A_18] : memref<32x40xf32, #tpu.memory_space<vmem>>, vector<32x40xf32>
    %dot_general3A = arith.constant dense<0.000000e+00> : vector<512x40xf32>
    %dot_general3A_20 = tpu.matmul %mul3A_16, %get3A_19, %dot_general3A {dimension_numbers = #tpu.dot_dimension_numbers<[1], [0], [0], [1], [0, 0, 1, 1], [], []>, transpose_lhs_hint = false} : vector<512x32xf32>, vector<32x40xf32>, vector<512x40xf32> -> vector<512x40xf32>
    %get3A_21 = arith.constant 0 : index
    %get3A_22 = arith.constant 0 : index
    %get3A_23 = vector.load %arg5[%get3A_21, %get3A_22] : memref<1x40xf32, #tpu.memory_space<vmem>>, vector<1x40xf32>
    %add3A_24 = vector.broadcast %get3A_23 : vector<1x40xf32> to vector<512x40xf32>
    %add3A_25 = arith.addf %dot_general3A_20, %add3A_24 : vector<512x40xf32>
    %swap3A = arith.constant 0 : index
    %swap3A_26 = arith.constant 0 : index
    %swap3A_27 = vector.load %arg6[%swap3A, %swap3A_26] : memref<512x40xf32, #tpu.memory_space<vmem>>, vector<512x40xf32>
    tpu.vector_store %arg6[%swap3A, %swap3A_26], %add3A_25 {strides = array<i32>} : memref<512x40xf32, #tpu.memory_space<vmem>>, vector<512x40xf32>,
    return
  }
  func.func @transform_0(%arg0: i32) -> (i32, i32, i32) {
    %c0_i32 = arith.constant 0 : i32
    %c0_i32_0 = arith.constant 0 : i32
    %c0_i32_1 = arith.constant 0 : i32
    return %c0_i32, %arg0, %c0_i32_0 : i32, i32, i32
  }
  func.func @transform_1(%arg0: i32) -> (i32, i32) {
    %c0_i32 = arith.constant 0 : i32
    %c0_i32_0 = arith.constant 0 : i32
    return %arg0, %c0_i32 : i32, i32
  }
  func.func @transform_2(%arg0: i32) -> (i32, i32) {
    %c0_i32 = arith.constant 0 : i32
    %c0_i32_0 = arith.constant 0 : i32
    return %arg0, %c0_i32 : i32, i32
  }
  func.func @transform_3(%arg0: i32) -> (i32, i32) {
    %c0_i32 = arith.constant 0 : i32
    %c0_i32_0 = arith.constant 0 : i32
    %c0_i32_1 = arith.constant 0 : i32
    return %c0_i32, %c0_i32_0 : i32, i32
  }
  func.func @transform_4(%arg0: i32) -> (i32, i32) {
    %c0_i32 = arith.constant 0 : i32
    %c0_i32_0 = arith.constant 0 : i32
    %c0_i32_1 = arith.constant 0 : i32
    return %c0_i32, %c0_i32_0 : i32, i32
  }
  func.func @transform_5(%arg0: i32) -> (i32, i32) {
    %c0_i32 = arith.constant 0 : i32
    %c0_i32_0 = arith.constant 0 : i32
    return %arg0, %c0_i32 : i32, i32
  }
}

</mosaic_0001>

<sc_bundles>
// kernel: kernel.10.cloned.1.call-start
scs
__scs_entry_jumppad:
0x0: {  	(pc) =	sbr.rel $0x88, $3  }
0x1: {  	(tag) =	ssettag $0x0;
	lr =	simm.s32 $0x1  }
0x2: {  	[smem:$0x3F99] =	sst lr;
	_ =	strace $0xD0000000  }
0x3: {  	_ = 	snop  }
0x4: {  	_ = 	snop  }
0x5: {  	_ = 	snop  }
0x6: {  	_ = 	snop  }
0x7: {  	_ = 	snop  }
__scs_overlays_trampoline_lowered:
0x8: {  	[smem:$0x3FA8] =	sst s0  }
0x9: {  	[smem:$0x3FA9] =	sst s1  }
0xa: {  	[smem:$0x3FAA] =	sst s2  }
0xb: {  	[smem:$0x3FAB] =	sst s3  }
0xc: {  	[smem:$0x3FAC] =	sst s4  }
0xd: {  	[smem:$0x3FAD] =	sst s5  }
0xe: {  	[smem:$0x3FAE] =	sst s6  }
0xf: {  	[smem:$0x3FAF] =	sst s7  }
0x10: {  	[smem:$0x3FB0] =	sst s8  }
0x11: {  	[smem:$0x3FB1] =	sst s9;
	s0 =	simm.s32 @!p0 $0x0  }
0x12: {  	s1 =	sld [smem:$0x3F97];
	s0 =	simm.s32 @p0 $0x1  }
0x13: {  	[smem:$0x3FB2] =	sst s0;
	s0 =	simm.s32 @!p1 $0x0  }
0x14: {  	s2 =	sld [smem:$0x3F96];
	s0 =	simm.s32 @p1 $0x1  }
0x15: {  	[smem:$0x3FB3] =	sst s0;
	s0 =	simm.s32 @!p2 $0x0  }
0x16: {  	s3 =	sld [smem:$0x3FDB];
	s0 =	simm.s32 @p2 $0x1  }
0x17: {  	s4 =	simm.s32 $0x1BF5;
	[smem:$0x3FB5] =	sst s0  }
0x18: {  	s0 =	sld [smem:$0x3F98];
	_ =	swait.ge [sflag:s4], $0x0  }
0x19: {  	s7 =	sld [smem:$0x3F99]  }
0x1a: {  	s8 =	sadd.s32 $0xFFFFE003, lr  }
0x1b: {  	s9 =	sadd.s32 $0xFFFFFEF7, lr;
	s5 =	simm.s32 $0xFFFFFFFF;
	p2 =	slt.u32 s8, $0xFFFFF086  }
0x1c: {  	p1 =	slt.u32 s9, $0xF7A;
	s5 =	simm.s32 @!p2 $0x0  }
0x1d: {  	s5 =	simm.s32 @p1 $0x1;
	p0 =	seq.s32 s7, s2  }
0x1e: {  	s7 =	smul.u32 @!p0 $0xF7A, s2;
	p2 =	seq.s32 @!p0 s5, $0x0  }
0x1f: {  	s9 =	smul.u32 $0xF7A, s1;
	s8 =	simm.s32 @!p0 $0x1BF5;
	p2 =	por !p2, p0  }
0x20: {  	[sflag:s8] =	ssyncset.s32 @!p0 $0xFFFFF086;
	s6 =	sadd.s32 @!p0 s3, s7;
	s7 =	simm.s32 @!p0 $0x108  }
0x21: {  	s3 =	sadd.s32 s3, s9;
	s6 =	sadd.s32 @!p0 $0x88, s6;
	s7 =	simm.s32 @p2 $0x1082  }
0x22: {  	[simem:s7], [sflag:s8] =	dma.local @!p0 [hbm:s6], $0xF7A  }
0x23: {  	s9 =	sor.u32 $0xD0000000, s2;
	s6 =	simm.s32 $0x108;
	_ =	swait.ge @!p0 [sflag:s8], $0x0  }
0x24: {  	s3 =	sadd.s32 $0x88, s3;
	s6 =	simm.s32 @!p1 $0x1082;
	[sflag:s4] =	ssyncset.s32 $0xFFFFF086  }
0x25: {  	[simem:s6], [sflag:s4] =	dma.local [hbm:s3], $0xF7A  }
0x26: {  	[smem:$0x3F99] =	sst s1;
	(tag) =	ssettag s2;
	_ =	strace s9  }
0x27: {  	s1 =	sld [smem:$0x3FA9]  }
0x28: {  	s2 =	sld [smem:$0x3FAA]  }
0x29: {  	s4 =	sld [smem:$0x3FAC]  }
0x2a: {  	p0 =	seq.s32 s5, $0x0;
	s5 =	sld [smem:$0x3FAD]  }
0x2b: {  	s6 =	sld [smem:$0x3FAE]  }
0x2c: {  	s7 =	sld [smem:$0x3FAF]  }
0x2d: {  	s3 =	simm.s32 $0x108;
	s8 =	sld [smem:$0x3FB0]  }
0x2e: {  	s3 =	simm.s32 @!p0 $0x1082;
	s9 =	sld [smem:$0x3FB1]  }
0x2f: {  	lr =	sadd.s32 s0, s3;
	s0 =	sld [smem:$0x3FA8]  }
0x30: {  	s3 =	sld [smem:$0x3FAB]  }
0x31: {  	[smem:$0x3FB4] =	sst s10  }
0x32: {  	s10 =	sld [smem:$0x3FB2];
	_ =	sdelay $0x3  }
0x33: {  	p0 =	seq.s32 s10, $0x1;
	s10 =	sld [smem:$0x3FB4];
	_ =	sdelay $0x3  }
0x34: {  	[smem:$0x3FB4] =	sst s10  }
0x35: {  	s10 =	sld [smem:$0x3FB3];
	_ =	sdelay $0x3  }
0x36: {  	p1 =	seq.s32 s10, $0x1;
	s10 =	sld [smem:$0x3FB4];
	_ =	sdelay $0x3  }
0x37: {  	[smem:$0x3FB4] =	sst s10  }
0x38: {  	s10 =	sld [smem:$0x3FB5]  }
0x39: {  	_ = 	snop;
	(pc) =	sbr.ind lr, $3  }
0x3a: {  	_ = 	snop  }
0x3b: {  	_ = 	snop  }
0x3c: {  	p2 =	seq.s32 s10, $0x1;
	s10 =	sld [smem:$0x3FB4]  }
0x3d: {  	_ =	shalt  }
0x3e: {  	_ =	shalt  }
0x3f: {  	_ =	shalt  }
0x40: {  	_ =	shalt  }
0x41: {  	_ =	shalt  }
0x42: {  	_ =	shalt  }
0x43: {  	_ =	shalt  }
0x44: {  	_ =	shalt  }
0x45: {  	_ =	shalt  }
0x46: {  	_ =	shalt  }
0x47: {  	_ =	shalt  }
0x48: {  	_ =	shalt  }
0x49: {  	_ =	shalt  }
0x4a: {  	_ =	shalt  }
0x4b: {  	_ =	shalt  }
0x4c: {  	_ =	shalt  }
0x4d: {  	_ =	shalt  }
0x4e: {  	_ =	shalt  }
0x4f: {  	_ =	shalt  }
0x50: {  	_ =	shalt  }
0x51: {  	_ =	shalt  }
0x52: {  	_ =	shalt  }
0x53: {  	_ =	shalt  }
0x54: {  	_ =	shalt  }
0x55: {  	_ =	shalt  }
0x56: {  	_ =	shalt  }
0x57: {  	_ =	shalt  }
0x58: {  	_ =	shalt  }
0x59: {  	_ =	shalt  }
0x5a: {  	_ =	shalt  }
0x5b: {  	_ =	shalt  }
0x5c: {  	_ =	shalt  }
0x5d: {  	_ =	shalt  }
0x5e: {  	_ =	shalt  }
0x5f: {  	_ =	shalt  }
0x60: {  	_ =	shalt  }
0x61: {  	_ =	shalt  }
0x62: {  	_ =	shalt  }
0x63: {  	_ =	shalt  }
0x64: {  	_ =	shalt  }
0x65: {  	_ =	shalt  }
0x66: {  	_ =	shalt  }
0x67: {  	_ =	shalt  }
0x68: {  	_ =	shalt  }
0x69: {  	_ =	shalt  }
0x6a: {  	_ =	shalt  }
0x6b: {  	_ =	shalt  }
0x6c: {  	_ =	shalt  }
0x6d: {  	_ =	shalt  }
0x6e: {  	_ =	shalt  }
0x6f: {  	_ =	shalt  }
0x70: {  	_ =	shalt  }
0x71: {  	_ =	shalt  }
0x72: {  	_ =	shalt  }
0x73: {  	_ =	shalt  }
0x74: {  	_ =	shalt  }
0x75: {  	_ =	shalt  }
0x76: {  	_ =	shalt  }
0x77: {  	_ =	shalt  }
0x78: {  	_ =	shalt  }
0x79: {  	_ =	shalt  }
0x7a: {  	_ =	shalt  }
0x7b: {  	_ =	shalt  }
0x7c: {  	_ =	shalt  }
0x7d: {  	_ =	shalt  }
0x7e: {  	_ =	shalt  }
0x7f: {  	_ =	shalt  }
0x80: {  	_ =	shalt  }
0x81: {  	_ =	shalt  }
0x82: {  	_ =	shalt  }
0x83: {  	_ =	shalt  }
0x84: {  	_ =	shalt  }
0x85: {  	_ =	shalt  }
0x86: {  	_ =	shalt  }
0x87: {  	_ =	shalt  }
.Lfunc_end0:
.L_simem_size_0:
called_computation_lowered:
.L_overlay_start_0:
0x88: {  	s2 =	sld [smem:$0x3FD9]  }
0x89: {  	s3 =	sld [smem:$0x3FFE];
	_ =	sdelay $0x1  }
0x8a: {  	s1 =	srdreg.scid  }
0x8b: {  	s0 =	sand.u32 $0x1, s1  }
0x8c: {  	s17 =	sshll.u32 s0, $0xA;
	s2 =	sadd.s32 s3, s2  }
0x8d: {  	s2 =	sadd.s32 s2, s17  }
0x8e: {  	[smem:$0x3FC0] =	sst s2  }
0x8f: {  	_ = 	snop  }
0x90: {  	s2 =	sld [smem:$0x3FD0];
	(tm) =	ssettm $0x1  }
0x91: {  	s18 =	sld [smem:$0x3FFB];
	_ =	sdelay $0x3  }
0x92: {  	_ =	strace s18  }
0x93: {  	s3 =	sld [smem:$0x3FFC];
	_ =	sdelay $0x3  }
0x94: {  	_ =	strace s3  }
0x95: {  	s3 =	sld [smem:$0x3FFD];
	_ =	sdelay $0x3  }
0x96: {  	_ =	strace s3  }
0x97: {  	_ =	strace $0x8FFFFFFF  }
0x98: {  	s19 =	sld [smem:$0x3FDB];
	_ =	sdelay $0x1  }
0x99: {  	s4 =	simm.s32 $_scs_section_size  }
0x9a: {  	s5 =	simm.s32 $_size__tile_overlayer_lowered;
	s6 =	simm.s32 $_tile_overlayer_lowered  }
0x9b: {  	s22 =	simm.s32 $0x1BFF;
	s21 =	sshll.u32 s6, $0x1;
	s3 =	sadd.s32 s4, s19  }
0x9c: {  	s7 =	simm.s32 $0x0;
	s20 =	sshll.u32 s5, $0x1;
	s5 =	sadd.s32 s21, s3  }
0x9d: {  	[timem:s7], [sflag:s22] =	dma.local [hbm:s5], s20  }
0x9e: {  	_ =	swait.ge [sflag:s22], s20  }
0x9f: {  	s4 =	ssub.s32 $0x0, s20;
	[sflag:s22] =	ssyncset.done $0x0  }
0xa0: {  	[sflag:s22] =	ssyncadd.s32 s4;
	_ =	sdelay $0x1  }
0xa1: {  	s23 =	simm.s32 $0x1B8B  }
0xa2: {  	_ =	swait.ge [sflag:s23], $0x1  }
0xa3: {  	[sflag:s23] =	ssyncset.done $0x0  }
0xa4: {  	s25 =	simm.s32 $0x1B8E;
	s24 =	sld [smem:$0x3FFE];
	[sflag:s23] =	ssyncadd.s32 $0xFFFFFFFF  }
0xa5: {  	s26 =	simm.s32 $execute0_lowered;
	[smem:$0x3FD2] =	sst s25  }
0xa6: {  	s5 =	sshll.u32 s26, $0x1;
	_ =	strace $0x80000046;
	[dreg:$0x1] =	wrdreg $0xFFFFFFFF  }
0xa7: {  	s28 =	simm.s32 $_size_execute0_lowered;
	s3 =	sadd.s32 s3, s5;
	[dreg:$0x0] =	wrdreg $0x0  }
0xa8: {  	s5 =	sshll.u32 s28, $0x1;
	[dreg:$0x2] =	wrdreg s3  }
0xa9: {  	[dreg:$0x3] =	wrdreg s5  }
0xaa: {  	[dreg:$0x4] =	wrdreg $0xC0  }
0xab: {  	_ =	task [dreg:s7], $0x5FFFF  }
0xac: {  	[dreg:$0x1] =	wrdreg $0xFFFFFFFF  }
0xad: {  	[dreg:$0x0] =	wrdreg $0x60  }
0xae: {  	[dreg:$0x2] =	wrdreg s2  }
0xaf: {  	[dreg:$0x3] =	wrdreg s24  }
0xb0: {  	[dreg:$0x4] =	wrdreg $0x40800  }
0xb1: {  	[dreg:$0x5] =	wrdreg $0x9  }
0xb2: {  	_ =	task.clear_ibuf [dreg:s7], $0x6FFFF;
	_ =	strace $0x90000046  }
0xb3: {  	s29 =	simm.s32 $0x9;
	_ =	strace $0x80000048  }
0xb4: {  	_ =	swait.ge [sflag:s29], $0x1  }
0xb5: {  	[sflag:s29] =	ssyncadd.s32 $0xFFFFFFFF  }
0xb6: {  	_ =	strace $0x90000048  }
0xb7: {  	_ =	sfence  }
0xb8: {  	s30 =	sld [smem:$0x0];
	_ =	sdelay $0x2  }
0xb9: {  	s31 =	sshll.u32 s1, $0xD;
	s1 =	sshrl.u32 s1, $0x2  }
0xba: {  	s3 =	sand.u32 $0x4000, s31;
	s1 =	sadd.s32 s1, s30  }
0xbb: {  	s0 =	sor.u32 s3, s0;
	s1 =	sshll.u32 s1, $0x11  }
0xbc: {  	s0 =	sor.u32 s1, s0  }
0xbd: {  	s0 =	sadd.s32 $0x8F2B, s0  }
0xbe: {  	[sflag:s0] =	ssyncadd.remote.s32 $0x1  }
0xbf: {  	_ =	sfence.sel $0xFFFF  }
0xc0: {  	[dreg:$0x0] =	wrdreg $0xFFFFFFFF;
	(pc) =	sbr.abs _section_cstart, $3  }
0xc1: {  	[dreg:$0x1] =	wrdreg $0xFFFFFFFF  }
0xc2: {  	_ =	task.clear_ibuf [dreg:s7], $0x2FFFF;
	_ =	strace $0x9FFFFFFF  }
0xc3: {  	(tm) =	ssettm $0x7FFFFFFF  }
tec
execute0_lowered:
.L_overlay_start_1:
0x0: {  	(tag) =	ssettag $0x1  }
0x1: {  	s2 =	rddreg [dreg:$0x0]  }
0x2: {  	s6 =	rddreg [dreg:$0x1]  }
0x3: {  	s3 =	rddreg [dreg:$0x2]  }
0x4: {  	s0 =	rddreg [dreg:$0x3];
	s1 =	stileid.u32  }
0x5: {  	s4 =	simm.s32 $0x0;
	s5 =	srdreg.scid;
	s13 =	smul.u32 $0x2800, s1  }
0x6: {  	[smem:$0x7FF] =	sst s4;
	s11 =	smul.u32 $0x50000, s1  }
0x7: {  	s7 =	sand.u32 $0x1, s5;
	s5 =	sadd.s32 $0x34C00, s6;
	s12 =	smul.u32 $0xA00, s1  }
0x8: {  	s31 =	sshll.u32 s1, $0x6;
	_ =	strace $0x80000047;
	s9 =	smul.u32 $0x28000, s7  }
0x9: {  	s10 =	ssub.s32 $0x2, s7;
	s30 =	smul.u32 $0x500, s7;
	s8 =	sadd.s32 s13, s6  }
0xa: {  	s28 =	sshrl.u32 s10, $0x1;
	s29 =	sshrl.u32 s11, $0x2;
	s11 =	sor.u32 $0x1C01, s31  }
0xb: {  	s9 =	sadd.s32 s9, s6;
	s10 =	ssub.s32 s10, s28;
	s14 =	sadd.s32 s29, s3  }
0xc: {  	s6 =	sadd.s32 $0xCC00, s8;
	s8 =	sadd.s32 s30, s12;
	s15 =	sadd.s32 $0x35400, s9  }
0xd: {  	s7 =	smax.u32 s10, $0x1;
	s9 =	simm.s32 $0x80;
	s10 =	simm.s32 $0x1  }
0xe: {  	s12 =	sshrl.u32 s14, $0x3;
	s14 =	simm.s32 $0x0;
	s13 =	sadd.s32 s13, s15  }
.LBB2_1:
0xf: {  	[tilespmem:s9], [sflag:$0x1] =	stream.linear.gather [hbm4b:s5+s4], $0x4000, $0x38;
	[tilespmem:$0x6880] =	vst v63  }
0x10: {  	_ =	swait.ge [sflag:s10], $0x4000  }
0x11: {  	[sflag:s10] =	ssyncset.done $0x0  }
0x12: {  	[sflag:s10] =	ssyncadd.s32 $0xFFFFC000  }
0x13: {  	[spmem:s12], [sflag:s11] =	dma.local [hbm:s6], $0x2800  }
0x14: {  	_ =	swait.ge [sflag:s10], $0x2800  }
0x15: {  	s15 =	sadd.s32 $0x0, s8;
	s16 =	sand.u32 $0x70, s4;
	[sflag:s10] =	ssyncset.done $0x0  }
0x16: {  	s15 =	sand.u32 $0xFFFFF80, s15;
	s16 =	sadd.s32 s2, s16;
	[sflag:s10] =	ssyncadd.s32 $0xFFFFD800  }
0x17: {  	s15 =	sadd.s32 s15, s16;
	[bflag:$0x0] =	sbarrier.arrive $0xFFFF  }
0x18: {  	[tilespmem:s4], [sflag:$0x1] =	stream.linear.gather [hbm4b:s15+s4], $0x80, $0x38;
	[tilespmem:$0x6880] =	vst v63  }
0x19: {  	_ =	swait.ge [sflag:s10], $0x80  }
0x1a: {  	[sflag:s10] =	ssyncset.done $0x0  }
0x1b: {  	s31 =	simm.s32 $0x10;
	s17 =	sadd.s32 $0x10, s8;
	[sflag:s10] =	ssyncadd.s32 $0xFFFFFF80  }
0x1c: {  	[spmem:s3] =	stream.indirect.scatter.add.f32 [tilespmem:s9], [sflag:$0x1], $0x10, s4, s9, $0xb8;
	[tilespmem:$0x6880] =	vst v63  }
0x1d: {  	s18 =	sand.u32 $0x70, s31;
	s16 =	sand.u32 $0xFFFFF80, s17;
	_ =	swait.ge [sflag:s10], $0x800  }
0x1e: {  	s17 =	sadd.s32 s2, s18;
	s15 =	simm.s32 $0x20;
	[sflag:s10] =	ssyncset.done $0x0  }
.LBB2_2:
0x1f: {  	s16 =	sadd.s32 s16, s17  }
0x20: {  	[sflag:s10] =	ssyncadd.s32 $0xFFFFF800;
	s17 =	smov.u32 s15;
	s18 =	sadd.s32 $0x10, s15  }
0x21: {  	[tilespmem:s4], [sflag:$0x1] =	stream.linear.gather [hbm4b:s16+s4], $0x80, $0x38;
	[tilespmem:$0x6880] =	vst v63  }
0x22: {  	p0 =	sne.s32 s15, $0x4F0;
	_ =	swait.ge [sflag:s10], $0x80  }
.Ltmp0:
0x23: {  	[sflag:s10] =	ssyncset.done $0x0;
	(pc) =	sbr.rel @p0 .LBB2_2-.Ltmp0, $4  }
0x24: {  	s15 =	sadd.s32 s17, s8;
	[sflag:s10] =	ssyncadd.s32 $0xFFFFFF80  }
0x25: {  	[spmem:s3] =	stream.indirect.scatter.add.f32 [tilespmem:s9], [sflag:$0x1], $0x10, s4, s9, $0xb8;
	[tilespmem:$0x6880] =	vst v63  }
0x26: {  	s17 =	sand.u32 $0x70, s17;
	s16 =	sand.u32 $0xFFFFF80, s15;
	_ =	swait.ge [sflag:s10], $0x800  }
0x27: {  	s17 =	sadd.s32 s2, s17;
	s15 =	smov.u32 s18;
	[sflag:s10] =	ssyncset.done $0x0  }
0x28: {  	s15 =	sadd.s32 s16, s17;
	[sflag:s10] =	ssyncadd.s32 $0xFFFFF800  }
0x29: {  	[tilespmem:s4], [sflag:$0x1] =	stream.linear.gather [hbm4b:s15+s4], $0x80, $0x38;
	[tilespmem:$0x6880] =	vst v63  }
0x2a: {  	_ =	swait.ge [sflag:s10], $0x80  }
0x2b: {  	[sflag:s10] =	ssyncset.done $0x0  }
0x2c: {  	[sflag:s10] =	ssyncadd.s32 $0xFFFFFF80  }
0x2d: {  	[spmem:s3] =	stream.indirect.scatter.add.f32 [tilespmem:s9], [sflag:$0x1], $0x10, s4, s9, $0xb8;
	[tilespmem:$0x6880] =	vst v63  }
0x2e: {  	_ =	swait.ge [sflag:s10], $0x800  }
0x2f: {  	s14 =	sadd.s32 $0x1, s14;
	[sflag:s10] =	ssyncset.done $0x0  }
0x30: {  	p0 =	sne.s32 s14, s7;
	[sflag:s10] =	ssyncadd.s32 $0xFFFFF800  }
.Ltmp1:
0x31: {  	[bflag:$0x0] =	sbarrier.arrive $0xFFFF;
	(pc) =	sbr.rel @p0 .LBB2_1-.Ltmp1, $4  }
0x32: {  	[hbm:s13], [sflag:s11] =	dma.local [spmem:s12], $0x2800  }
0x33: {  	_ =	swait.ge [sflag:s10], $0x2800  }
0x34: {  	[sflag:s10] =	ssyncset.done $0x0  }
0x35: {  	[sflag:s10] =	ssyncadd.s32 $0xFFFFD800  }
0x36: {  	_ =	sfence.sel $0x180000  }
0x37: {  	[bflag:$0x0] =	sbarrier.arrive $0xFFFF  }
0x38: {  	p0 =	sne.s32 s1, $0x0;
	_ =	strace $0x90000047  }
0x39: {  	s0 =	sadd.s32 @!p0 $0x100000, s0;
	[bflag:$0x2] =	sbarrier.arrive $0xFFFF  }
0x3a: {  	[sflag:s0] =	ssyncadd.tile.s32 @!p0 $0x1;
	_ =	shalt  }
.Lfunc_end2:
_tile_overlayer_lowered:
.L_overlay_start_2:
0x3b: {  	(tag) =	ssettag $0x2  }
0x3c: {  	s0 =	rddreg [dreg:$0x0];
	s2 =	stileid.u32  }
0x3d: {  	s1 =	rddreg [dreg:$0x1];
	p0 =	sne.s32 s2, $0x0  }
0x3e: {  	s3 =	rddreg [dreg:$0x2];
	[bflag:$0x3] =	sbarrier.arrive $0xFFFF;
	s2 =	simm.s32 @!p0 $0x1C01  }
0x3f: {  	[timem:s3], [sflag:s2] =	dma.local @!p0 [hbm:s0], s1  }
0x40: {  	s0 =	simm.s32 @!p0 $0x1  }
0x41: {  	_ =	swait.ge @!p0 [sflag:s0], s1  }
0x42: {  	s1 =	ssub.s32 @!p0 $0x0, s1;
	[sflag:s0] =	ssyncset.done @!p0 $0x0  }
0x43: {  	[sflag:s0] =	ssyncadd.s32 @!p0 s1  }
0x44: {  	[bflag:$0x3] =	sbarrier.arrive $0xFFFF  }
0x45: {  	_ =	shalt  }

// kernel: kernel.13.cloned.1.call-start
scs
__scs_entry_jumppad:
0x0: {  	(pc) =	sbr.rel $0x88, $3  }
0x1: {  	(tag) =	ssettag $0x0;
	lr =	simm.s32 $0x1  }
0x2: {  	[smem:$0x3F99] =	sst lr;
	_ =	strace $0xD0000000  }
0x3: {  	_ = 	snop  }
0x4: {  	_ = 	snop  }
0x5: {  	_ = 	snop  }
0x6: {  	_ = 	snop  }
0x7: {  	_ = 	snop  }
__scs_overlays_trampoline_lowered:
0x8: {  	[smem:$0x3FA8] =	sst s0  }
0x9: {  	[smem:$0x3FA9] =	sst s1  }
0xa: {  	[smem:$0x3FAA] =	sst s2  }
0xb: {  	[smem:$0x3FAB] =	sst s3  }
0xc: {  	[smem:$0x3FAC] =	sst s4  }
0xd: {  	[smem:$0x3FAD] =	sst s5  }
0xe: {  	[smem:$0x3FAE] =	sst s6  }
0xf: {  	[smem:$0x3FAF] =	sst s7  }
0x10: {  	[smem:$0x3FB0] =	sst s8  }
0x11: {  	[smem:$0x3FB1] =	sst s9;
	s0 =	simm.s32 @!p0 $0x0  }
0x12: {  	s1 =	sld [smem:$0x3F97];
	s0 =	simm.s32 @p0 $0x1  }
0x13: {  	[smem:$0x3FB2] =	sst s0;
	s0 =	simm.s32 @!p1 $0x0  }
0x14: {  	s2 =	sld [smem:$0x3F96];
	s0 =	simm.s32 @p1 $0x1  }
0x15: {  	[smem:$0x3FB3] =	sst s0;
	s0 =	simm.s32 @!p2 $0x0  }
0x16: {  	s3 =	sld [smem:$0x3FDB];
	s0 =	simm.s32 @p2 $0x1  }
0x17: {  	s4 =	simm.s32 $0x1BF5;
	[smem:$0x3FB5] =	sst s0  }
0x18: {  	s0 =	sld [smem:$0x3F98];
	_ =	swait.ge [sflag:s4], $0x0  }
0x19: {  	s7 =	sld [smem:$0x3F99]  }
0x1a: {  	s8 =	sadd.s32 $0xFFFFE003, lr  }
0x1b: {  	s9 =	sadd.s32 $0xFFFFFEF7, lr;
	s5 =	simm.s32 $0xFFFFFFFF;
	p2 =	slt.u32 s8, $0xFFFFF086  }
0x1c: {  	p1 =	slt.u32 s9, $0xF7A;
	s5 =	simm.s32 @!p2 $0x0  }
0x1d: {  	s5 =	simm.s32 @p1 $0x1;
	p0 =	seq.s32 s7, s2  }
0x1e: {  	s7 =	smul.u32 @!p0 $0xF7A, s2;
	p2 =	seq.s32 @!p0 s5, $0x0  }
0x1f: {  	s9 =	smul.u32 $0xF7A, s1;
	s8 =	simm.s32 @!p0 $0x1BF5;
	p2 =	por !p2, p0  }
0x20: {  	[sflag:s8] =	ssyncset.s32 @!p0 $0xFFFFF086;
	s6 =	sadd.s32 @!p0 s3, s7;
	s7 =	simm.s32 @!p0 $0x108  }
0x21: {  	s3 =	sadd.s32 s3, s9;
	s6 =	sadd.s32 @!p0 $0x88, s6;
	s7 =	simm.s32 @p2 $0x1082  }
0x22: {  	[simem:s7], [sflag:s8] =	dma.local @!p0 [hbm:s6], $0xF7A  }
0x23: {  	s9 =	sor.u32 $0xD0000000, s2;
	s6 =	simm.s32 $0x108;
	_ =	swait.ge @!p0 [sflag:s8], $0x0  }
0x24: {  	s3 =	sadd.s32 $0x88, s3;
	s6 =	simm.s32 @!p1 $0x1082;
	[sflag:s4] =	ssyncset.s32 $0xFFFFF086  }
0x25: {  	[simem:s6], [sflag:s4] =	dma.local [hbm:s3], $0xF7A  }
0x26: {  	[smem:$0x3F99] =	sst s1;
	(tag) =	ssettag s2;
	_ =	strace s9  }
0x27: {  	s1 =	sld [smem:$0x3FA9]  }
0x28: {  	s2 =	sld [smem:$0x3FAA]  }
0x29: {  	s4 =	sld [smem:$0x3FAC]  }
0x2a: {  	p0 =	seq.s32 s5, $0x0;
	s5 =	sld [smem:$0x3FAD]  }
0x2b: {  	s6 =	sld [smem:$0x3FAE]  }
0x2c: {  	s7 =	sld [smem:$0x3FAF]  }
0x2d: {  	s3 =	simm.s32 $0x108;
	s8 =	sld [smem:$0x3FB0]  }
0x2e: {  	s3 =	simm.s32 @!p0 $0x1082;
	s9 =	sld [smem:$0x3FB1]  }
0x2f: {  	lr =	sadd.s32 s0, s3;
	s0 =	sld [smem:$0x3FA8]  }
0x30: {  	s3 =	sld [smem:$0x3FAB]  }
0x31: {  	[smem:$0x3FB4] =	sst s10  }
0x32: {  	s10 =	sld [smem:$0x3FB2];
	_ =	sdelay $0x3  }
0x33: {  	p0 =	seq.s32 s10, $0x1;
	s10 =	sld [smem:$0x3FB4];
	_ =	sdelay $0x3  }
0x34: {  	[smem:$0x3FB4] =	sst s10  }
0x35: {  	s10 =	sld [smem:$0x3FB3];
	_ =	sdelay $0x3  }
0x36: {  	p1 =	seq.s32 s10, $0x1;
	s10 =	sld [smem:$0x3FB4];
	_ =	sdelay $0x3  }
0x37: {  	[smem:$0x3FB4] =	sst s10  }
0x38: {  	s10 =	sld [smem:$0x3FB5]  }
0x39: {  	_ = 	snop;
	(pc) =	sbr.ind lr, $3  }
0x3a: {  	_ = 	snop  }
0x3b: {  	_ = 	snop  }
0x3c: {  	p2 =	seq.s32 s10, $0x1;
	s10 =	sld [smem:$0x3FB4]  }
0x3d: {  	_ =	shalt  }
0x3e: {  	_ =	shalt  }
0x3f: {  	_ =	shalt  }
0x40: {  	_ =	shalt  }
0x41: {  	_ =	shalt  }
0x42: {  	_ =	shalt  }
0x43: {  	_ =	shalt  }
0x44: {  	_ =	shalt  }
0x45: {  	_ =	shalt  }
0x46: {  	_ =	shalt  }
0x47: {  	_ =	shalt  }
0x48: {  	_ =	shalt  }
0x49: {  	_ =	shalt  }
0x4a: {  	_ =	shalt  }
0x4b: {  	_ =	shalt  }
0x4c: {  	_ =	shalt  }
0x4d: {  	_ =	shalt  }
0x4e: {  	_ =	shalt  }
0x4f: {  	_ =	shalt  }
0x50: {  	_ =	shalt  }
0x51: {  	_ =	shalt  }
0x52: {  	_ =	shalt  }
0x53: {  	_ =	shalt  }
0x54: {  	_ =	shalt  }
0x55: {  	_ =	shalt  }
0x56: {  	_ =	shalt  }
0x57: {  	_ =	shalt  }
0x58: {  	_ =	shalt  }
0x59: {  	_ =	shalt  }
0x5a: {  	_ =	shalt  }
0x5b: {  	_ =	shalt  }
0x5c: {  	_ =	shalt  }
0x5d: {  	_ =	shalt  }
0x5e: {  	_ =	shalt  }
0x5f: {  	_ =	shalt  }
0x60: {  	_ =	shalt  }
0x61: {  	_ =	shalt  }
0x62: {  	_ =	shalt  }
0x63: {  	_ =	shalt  }
0x64: {  	_ =	shalt  }
0x65: {  	_ =	shalt  }
0x66: {  	_ =	shalt  }
0x67: {  	_ =	shalt  }
0x68: {  	_ =	shalt  }
0x69: {  	_ =	shalt  }
0x6a: {  	_ =	shalt  }
0x6b: {  	_ =	shalt  }
0x6c: {  	_ =	shalt  }
0x6d: {  	_ =	shalt  }
0x6e: {  	_ =	shalt  }
0x6f: {  	_ =	shalt  }
0x70: {  	_ =	shalt  }
0x71: {  	_ =	shalt  }
0x72: {  	_ =	shalt  }
0x73: {  	_ =	shalt  }
0x74: {  	_ =	shalt  }
0x75: {  	_ =	shalt  }
0x76: {  	_ =	shalt  }
0x77: {  	_ =	shalt  }
0x78: {  	_ =	shalt  }
0x79: {  	_ =	shalt  }
0x7a: {  	_ =	shalt  }
0x7b: {  	_ =	shalt  }
0x7c: {  	_ =	shalt  }
0x7d: {  	_ =	shalt  }
0x7e: {  	_ =	shalt  }
0x7f: {  	_ =	shalt  }
0x80: {  	_ =	shalt  }
0x81: {  	_ =	shalt  }
0x82: {  	_ =	shalt  }
0x83: {  	_ =	shalt  }
0x84: {  	_ =	shalt  }
0x85: {  	_ =	shalt  }
0x86: {  	_ =	shalt  }
0x87: {  	_ =	shalt  }
.Lfunc_end0:
.L_simem_size_0:
called_computation.1_lowered:
.L_overlay_start_0:
0x88: {  	s2 =	sld [smem:$0x3FD9]  }
0x89: {  	s3 =	sld [smem:$0x3FFE];
	_ =	sdelay $0x1  }
0x8a: {  	s1 =	srdreg.scid  }
0x8b: {  	s0 =	sand.u32 $0x1, s1  }
0x8c: {  	s17 =	sshll.u32 s0, $0xA;
	s2 =	sadd.s32 s3, s2  }
0x8d: {  	s2 =	sadd.s32 s2, s17  }
0x8e: {  	[smem:$0x3FC0] =	sst s2  }
0x8f: {  	_ = 	snop  }
0x90: {  	s2 =	sld [smem:$0x3FD0];
	(tm) =	ssettm $0x1  }
0x91: {  	s18 =	sld [smem:$0x3FFB];
	_ =	sdelay $0x3  }
0x92: {  	_ =	strace s18  }
0x93: {  	s3 =	sld [smem:$0x3FFC];
	_ =	sdelay $0x3  }
0x94: {  	_ =	strace s3  }
0x95: {  	s3 =	sld [smem:$0x3FFD];
	_ =	sdelay $0x3  }
0x96: {  	_ =	strace s3  }
0x97: {  	_ =	strace $0x8FFFFFFF  }
0x98: {  	s19 =	sld [smem:$0x3FDB];
	_ =	sdelay $0x1  }
0x99: {  	s4 =	simm.s32 $_scs_section_size  }
0x9a: {  	s5 =	simm.s32 $_size__tile_overlayer_lowered;
	s6 =	simm.s32 $_tile_overlayer_lowered  }
0x9b: {  	s22 =	simm.s32 $0x1BFF;
	s21 =	sshll.u32 s6, $0x1;
	s3 =	sadd.s32 s4, s19  }
0x9c: {  	s7 =	simm.s32 $0x0;
	s20 =	sshll.u32 s5, $0x1;
	s5 =	sadd.s32 s21, s3  }
0x9d: {  	[timem:s7], [sflag:s22] =	dma.local [hbm:s5], s20  }
0x9e: {  	_ =	swait.ge [sflag:s22], s20  }
0x9f: {  	s4 =	ssub.s32 $0x0, s20;
	[sflag:s22] =	ssyncset.done $0x0  }
0xa0: {  	[sflag:s22] =	ssyncadd.s32 s4;
	_ =	sdelay $0x1  }
0xa1: {  	s23 =	simm.s32 $0x1B8B  }
0xa2: {  	_ =	swait.ge [sflag:s23], $0x1  }
0xa3: {  	[sflag:s23] =	ssyncset.done $0x0  }
0xa4: {  	s25 =	simm.s32 $0x1B8E;
	s24 =	sld [smem:$0x3FFE];
	[sflag:s23] =	ssyncadd.s32 $0xFFFFFFFF  }
0xa5: {  	s26 =	simm.s32 $execute0_lowered;
	[smem:$0x3FD2] =	sst s25  }
0xa6: {  	s5 =	sshll.u32 s26, $0x1;
	_ =	strace $0x80000049;
	[dreg:$0x1] =	wrdreg $0xFFFFFFFF  }
0xa7: {  	s28 =	simm.s32 $_size_execute0_lowered;
	s3 =	sadd.s32 s3, s5;
	[dreg:$0x0] =	wrdreg $0x0  }
0xa8: {  	s5 =	sshll.u32 s28, $0x1;
	[dreg:$0x2] =	wrdreg s3  }
0xa9: {  	[dreg:$0x3] =	wrdreg s5  }
0xaa: {  	[dreg:$0x4] =	wrdreg $0xC0  }
0xab: {  	_ =	task [dreg:s7], $0x5FFFF  }
0xac: {  	[dreg:$0x1] =	wrdreg $0xFFFFFFFF  }
0xad: {  	[dreg:$0x0] =	wrdreg $0x60  }
0xae: {  	[dreg:$0x2] =	wrdreg s24  }
0xaf: {  	[dreg:$0x3] =	wrdreg s2  }
0xb0: {  	[dreg:$0x4] =	wrdreg $0x41000  }
0xb1: {  	[dreg:$0x5] =	wrdreg $0x9  }
0xb2: {  	_ =	task.clear_ibuf [dreg:s7], $0x6FFFF;
	_ =	strace $0x90000049  }
0xb3: {  	s29 =	simm.s32 $0x9;
	_ =	strace $0x8000004B  }
0xb4: {  	_ =	swait.ge [sflag:s29], $0x1  }
0xb5: {  	[sflag:s29] =	ssyncadd.s32 $0xFFFFFFFF  }
0xb6: {  	_ =	strace $0x9000004B  }
0xb7: {  	_ =	sfence  }
0xb8: {  	s30 =	sld [smem:$0x0];
	_ =	sdelay $0x2  }
0xb9: {  	s31 =	sshll.u32 s1, $0xD;
	s1 =	sshrl.u32 s1, $0x2  }
0xba: {  	s3 =	sand.u32 $0x4000, s31;
	s1 =	sadd.s32 s1, s30  }
0xbb: {  	s0 =	sor.u32 s3, s0;
	s1 =	sshll.u32 s1, $0x11  }
0xbc: {  	s0 =	sor.u32 s1, s0  }
0xbd: {  	s0 =	sadd.s32 $0x8F2B, s0  }
0xbe: {  	[sflag:s0] =	ssyncadd.remote.s32 $0x1  }
0xbf: {  	_ =	sfence.sel $0xFFFF  }
0xc0: {  	[dreg:$0x0] =	wrdreg $0xFFFFFFFF;
	(pc) =	sbr.abs _section_cstart, $3  }
0xc1: {  	[dreg:$0x1] =	wrdreg $0xFFFFFFFF  }
0xc2: {  	_ =	task.clear_ibuf [dreg:s7], $0x2FFFF;
	_ =	strace $0x9FFFFFFF  }
0xc3: {  	(tm) =	ssettm $0x7FFFFFFF  }
tec
execute0_lowered:
.L_overlay_start_1:
0x0: {  	(tag) =	ssettag $0x1  }
0x1: {  	s7 =	rddreg [dreg:$0x0]  }
0x2: {  	s2 =	rddreg [dreg:$0x1]  }
0x3: {  	s3 =	rddreg [dreg:$0x2]  }
0x4: {  	s0 =	rddreg [dreg:$0x3];
	s1 =	stileid.u32  }
0x5: {  	s4 =	simm.s32 $0x0;
	s5 =	srdreg.scid;
	s16 =	smul.u32 $0x2800, s1  }
0x6: {  	[smem:$0x7FF] =	sst s4;
	s11 =	smul.u32 $0x50000, s1  }
0x7: {  	s8 =	sand.u32 $0x1, s5;
	s5 =	sadd.s32 $0x2C00, s7;
	s31 =	smul.u32 $0xA00, s1  }
0x8: {  	s6 =	sadd.s32 $0xCC00, s7;
	s14 =	sshll.u32 s1, $0x6;
	s9 =	smul.u32 $0x28000, s8  }
0x9: {  	_ =	strace $0x8000004A;
	s10 =	ssub.s32 $0x2, s8;
	s15 =	smul.u32 $0x500, s8  }
0xa: {  	s8 =	sor.u32 $0x1C02, s14;
	s14 =	simm.s32 $0x100;
	s12 =	sadd.s32 s16, s7  }
0xb: {  	s29 =	sshrl.u32 s10, $0x1;
	s30 =	sshrl.u32 s11, $0x2;
	s9 =	sadd.s32 s9, s7  }
0xc: {  	s10 =	ssub.s32 s10, s29;
	s13 =	sadd.s32 s30, s3;
	s7 =	sadd.s32 $0x34C00, s12  }
0xd: {  	s12 =	simm.s32 $0x2;
	s17 =	sadd.s32 $0x5CC00, s9;
	s9 =	smax.u32 s10, $0x1  }
0xe: {  	s10 =	sadd.s32 s15, s31;
	s11 =	sshrl.u32 s13, $0x3;
	s13 =	simm.s32 $0x80  }
0xf: {  	s15 =	simm.s32 $0x1;
	s16 =	sadd.s32 s16, s17;
	s17 =	simm.s32 $0x0  }
.LBB2_1:
0x10: {  	[spmem:s11], [sflag:s8] =	dma.local [hbm:s7], $0x2800  }
0x11: {  	s18 =	sadd.s32 $0x0, s10;
	_ =	swait.ge [sflag:s12], $0x2800  }
0x12: {  	s19 =	sand.u32 $0x70, s4;
	s18 =	sand.u32 $0xFFFFF80, s18;
	[sflag:s12] =	ssyncset.done $0x0  }
0x13: {  	s18 =	sor.u32 s19, s18;
	[sflag:s12] =	ssyncadd.s32 $0xFFFFD800  }
0x14: {  	s19 =	sadd.s32 s5, s18;
	[bflag:$0x0] =	sbarrier.arrive $0xFFFF  }
0x15: {  	[tilespmem:s4], [sflag:$0x2] =	stream.linear.gather [hbm4b:s19+s4], $0x80, $0x38;
	[tilespmem:$0x18100] =	vst v63  }
0x16: {  	_ =	swait.ge [sflag:s12], $0x80  }
0x17: {  	[sflag:s12] =	ssyncset.done $0x0  }
0x18: {  	s18 =	sadd.s32 s2, s18;
	[sflag:s12] =	ssyncadd.s32 $0xFFFFFF80  }
0x19: {  	[tilespmem:s13], [sflag:$0x2] =	stream.linear.gather [hbm4b:s18+s4], $0x80, $0x38;
	[tilespmem:$0x18100] =	vst v63  }
0x1a: {  	_ =	swait.ge [sflag:s12], $0x80  }
0x1b: {  	[sflag:s12] =	ssyncset.done $0x0  }
0x1c: {  	[sflag:s12] =	ssyncadd.s32 $0xFFFFFF80  }
0x1d: {  	[tilespmem:s14], [sflag:$0x1] =	stream.indirect.gather [hbm4b:s6+s13], $0x80, s4, s13, $0xb8;
	[tilespmem:$0x18100] =	vst v63  }
0x1e: {  	_ =	swait.ge [sflag:s15], $0x4000  }
0x1f: {  	[sflag:s15] =	ssyncset.done $0x0  }
0x20: {  	[sflag:s15] =	ssyncadd.s32 $0xFFFFC000  }
0x21: {  	s30 =	simm.s32 $0x10;
	s31 =	sadd.s32 $0x10, s10;
	[bflag:$0x0] =	sbarrier.arrive $0xFFFF  }
0x22: {  	[spmem:s3] =	stream.indirect.scatter.add.f32 [tilespmem:s14], [sflag:$0x2], $0x80, s13, s13, $0xb8;
	[tilespmem:$0x18100] =	vst v63  }
0x23: {  	s20 =	sand.u32 $0xFFFFF80, s31;
	s18 =	sand.u32 $0x70, s30;
	_ =	swait.ge [sflag:s12], $0x4000  }
0x24: {  	s19 =	simm.s32 $0x20;
	s18 =	sor.u32 s18, s20;
	[sflag:s12] =	ssyncset.done $0x0  }
.LBB2_2:
0x25: {  	s20 =	sadd.s32 s5, s18  }
0x26: {  	[sflag:s12] =	ssyncadd.s32 $0xFFFFC000;
	s21 =	smov.u32 s19;
	s22 =	sadd.s32 $0x10, s19  }
0x27: {  	[tilespmem:s4], [sflag:$0x2] =	stream.linear.gather [hbm4b:s20+s4], $0x80, $0x38;
	[tilespmem:$0x18100] =	vst v63  }
0x28: {  	p0 =	sne.s32 s19, $0x4F0;
	_ =	swait.ge [sflag:s12], $0x80  }
0x29: {  	[sflag:s12] =	ssyncset.done $0x0  }
0x2a: {  	s18 =	sadd.s32 s2, s18;
	[sflag:s12] =	ssyncadd.s32 $0xFFFFFF80  }
0x2b: {  	[tilespmem:s13], [sflag:$0x2] =	stream.linear.gather [hbm4b:s18+s4], $0x80, $0x38;
	[tilespmem:$0x18100] =	vst v63  }
0x2c: {  	_ =	swait.ge [sflag:s12], $0x80  }
0x2d: {  	[sflag:s12] =	ssyncset.done $0x0  }
0x2e: {  	[sflag:s12] =	ssyncadd.s32 $0xFFFFFF80  }
0x2f: {  	[tilespmem:s14], [sflag:$0x1] =	stream.indirect.gather [hbm4b:s6+s13], $0x80, s4, s13, $0xb8;
	[tilespmem:$0x18100] =	vst v63  }
0x30: {  	_ =	swait.ge [sflag:s15], $0x4000  }
0x31: {  	[sflag:s15] =	ssyncset.done $0x0  }
.Ltmp0:
0x32: {  	[sflag:s15] =	ssyncadd.s32 $0xFFFFC000;
	(pc) =	sbr.rel @p0 .LBB2_2-.Ltmp0, $4  }
0x33: {  	s18 =	sadd.s32 s21, s10;
	[bflag:$0x0] =	sbarrier.arrive $0xFFFF  }
0x34: {  	[spmem:s3] =	stream.indirect.scatter.add.f32 [tilespmem:s14], [sflag:$0x2], $0x80, s13, s13, $0xb8;
	[tilespmem:$0x18100] =	vst v63  }
0x35: {  	s19 =	sand.u32 $0x70, s21;
	s18 =	sand.u32 $0xFFFFF80, s18;
	_ =	swait.ge [sflag:s12], $0x4000  }
0x36: {  	s18 =	sor.u32 s19, s18;
	s19 =	smov.u32 s22;
	[sflag:s12] =	ssyncset.done $0x0  }
0x37: {  	s19 =	sadd.s32 s5, s18;
	[sflag:s12] =	ssyncadd.s32 $0xFFFFC000  }
0x38: {  	[tilespmem:s4], [sflag:$0x2] =	stream.linear.gather [hbm4b:s19+s4], $0x80, $0x38;
	[tilespmem:$0x18100] =	vst v63  }
0x39: {  	_ =	swait.ge [sflag:s12], $0x80  }
0x3a: {  	[sflag:s12] =	ssyncset.done $0x0  }
0x3b: {  	s31 =	sadd.s32 s2, s18;
	[sflag:s12] =	ssyncadd.s32 $0xFFFFFF80  }
0x3c: {  	[tilespmem:s13], [sflag:$0x2] =	stream.linear.gather [hbm4b:s31+s4], $0x80, $0x38;
	[tilespmem:$0x18100] =	vst v63  }
0x3d: {  	_ =	swait.ge [sflag:s12], $0x80  }
0x3e: {  	[sflag:s12] =	ssyncset.done $0x0  }
0x3f: {  	[sflag:s12] =	ssyncadd.s32 $0xFFFFFF80  }
0x40: {  	[tilespmem:s14], [sflag:$0x1] =	stream.indirect.gather [hbm4b:s6+s13], $0x80, s4, s13, $0xb8;
	[tilespmem:$0x18100] =	vst v63  }
0x41: {  	_ =	swait.ge [sflag:s15], $0x4000  }
0x42: {  	[sflag:s15] =	ssyncset.done $0x0  }
0x43: {  	[sflag:s15] =	ssyncadd.s32 $0xFFFFC000  }
0x44: {  	[bflag:$0x0] =	sbarrier.arrive $0xFFFF  }
0x45: {  	[spmem:s3] =	stream.indirect.scatter.add.f32 [tilespmem:s14], [sflag:$0x2], $0x80, s13, s13, $0xb8;
	[tilespmem:$0x18100] =	vst v63  }
0x46: {  	_ =	swait.ge [sflag:s12], $0x4000  }
0x47: {  	s17 =	sadd.s32 $0x1, s17;
	[sflag:s12] =	ssyncset.done $0x0  }
0x48: {  	p0 =	sne.s32 s17, s9;
	[sflag:s12] =	ssyncadd.s32 $0xFFFFC000  }
.Ltmp1:
0x49: {  	[bflag:$0x0] =	sbarrier.arrive $0xFFFF;
	(pc) =	sbr.rel @p0 .LBB2_1-.Ltmp1, $4  }
0x4a: {  	[hbm:s16], [sflag:s8] =	dma.local [spmem:s11], $0x2800  }
0x4b: {  	_ =	swait.ge [sflag:s12], $0x2800  }
0x4c: {  	[sflag:s12] =	ssyncset.done $0x0  }
0x4d: {  	[sflag:s12] =	ssyncadd.s32 $0xFFFFD800  }
0x4e: {  	_ =	sfence.sel $0x180000  }
0x4f: {  	[bflag:$0x0] =	sbarrier.arrive $0xFFFF  }
0x50: {  	p0 =	sne.s32 s1, $0x0;
	_ =	strace $0x9000004A  }
0x51: {  	s0 =	sadd.s32 @!p0 $0x100000, s0;
	[bflag:$0x2] =	sbarrier.arrive $0xFFFF  }
0x52: {  	[sflag:s0] =	ssyncadd.tile.s32 @!p0 $0x1;
	_ =	shalt  }
.Lfunc_end2:
_tile_overlayer_lowered:
.L_overlay_start_2:
0x53: {  	(tag) =	ssettag $0x2  }
0x54: {  	s0 =	rddreg [dreg:$0x0];
	s2 =	stileid.u32  }
0x55: {  	s1 =	rddreg [dreg:$0x1];
	p0 =	sne.s32 s2, $0x0  }
0x56: {  	s3 =	rddreg [dreg:$0x2];
	[bflag:$0x3] =	sbarrier.arrive $0xFFFF;
	s2 =	simm.s32 @!p0 $0x1C02  }
0x57: {  	[timem:s3], [sflag:s2] =	dma.local @!p0 [hbm:s0], s1  }
0x58: {  	s0 =	simm.s32 @!p0 $0x2  }
0x59: {  	_ =	swait.ge @!p0 [sflag:s0], s1  }
0x5a: {  	s1 =	ssub.s32 @!p0 $0x0, s1;
	[sflag:s0] =	ssyncset.done @!p0 $0x0  }
0x5b: {  	[sflag:s0] =	ssyncadd.s32 @!p0 s1  }
0x5c: {  	[bflag:$0x3] =	sbarrier.arrive $0xFFFF  }
0x5d: {  	_ =	shalt  }

// kernel: kernel.16.cloned.1.call-start
scs
__scs_entry_jumppad:
0x0: {  	(pc) =	sbr.rel $0x88, $3  }
0x1: {  	(tag) =	ssettag $0x0;
	lr =	simm.s32 $0x1  }
0x2: {  	[smem:$0x3F99] =	sst lr;
	_ =	strace $0xD0000000  }
0x3: {  	_ = 	snop  }
0x4: {  	_ = 	snop  }
0x5: {  	_ = 	snop  }
0x6: {  	_ = 	snop  }
0x7: {  	_ = 	snop  }
__scs_overlays_trampoline_lowered:
0x8: {  	[smem:$0x3FA8] =	sst s0  }
0x9: {  	[smem:$0x3FA9] =	sst s1  }
0xa: {  	[smem:$0x3FAA] =	sst s2  }
0xb: {  	[smem:$0x3FAB] =	sst s3  }
0xc: {  	[smem:$0x3FAC] =	sst s4  }
0xd: {  	[smem:$0x3FAD] =	sst s5  }
0xe: {  	[smem:$0x3FAE] =	sst s6  }
0xf: {  	[smem:$0x3FAF] =	sst s7  }
0x10: {  	[smem:$0x3FB0] =	sst s8  }
0x11: {  	[smem:$0x3FB1] =	sst s9;
	s0 =	simm.s32 @!p0 $0x0  }
0x12: {  	s1 =	sld [smem:$0x3F97];
	s0 =	simm.s32 @p0 $0x1  }
0x13: {  	[smem:$0x3FB2] =	sst s0;
	s0 =	simm.s32 @!p1 $0x0  }
0x14: {  	s2 =	sld [smem:$0x3F96];
	s0 =	simm.s32 @p1 $0x1  }
0x15: {  	[smem:$0x3FB3] =	sst s0;
	s0 =	simm.s32 @!p2 $0x0  }
0x16: {  	s3 =	sld [smem:$0x3FDB];
	s0 =	simm.s32 @p2 $0x1  }
0x17: {  	s4 =	simm.s32 $0x1BF5;
	[smem:$0x3FB5] =	sst s0  }
0x18: {  	s0 =	sld [smem:$0x3F98];
	_ =	swait.ge [sflag:s4], $0x0  }
0x19: {  	s7 =	sld [smem:$0x3F99]  }
0x1a: {  	s8 =	sadd.s32 $0xFFFFE003, lr  }
0x1b: {  	s9 =	sadd.s32 $0xFFFFFEF7, lr;
	s5 =	simm.s32 $0xFFFFFFFF;
	p2 =	slt.u32 s8, $0xFFFFF086  }
0x1c: {  	p1 =	slt.u32 s9, $0xF7A;
	s5 =	simm.s32 @!p2 $0x0  }
0x1d: {  	s5 =	simm.s32 @p1 $0x1;
	p0 =	seq.s32 s7, s2  }
0x1e: {  	s7 =	smul.u32 @!p0 $0xF7A, s2;
	p2 =	seq.s32 @!p0 s5, $0x0  }
0x1f: {  	s9 =	smul.u32 $0xF7A, s1;
	s8 =	simm.s32 @!p0 $0x1BF5;
	p2 =	por !p2, p0  }
0x20: {  	[sflag:s8] =	ssyncset.s32 @!p0 $0xFFFFF086;
	s6 =	sadd.s32 @!p0 s3, s7;
	s7 =	simm.s32 @!p0 $0x108  }
0x21: {  	s3 =	sadd.s32 s3, s9;
	s6 =	sadd.s32 @!p0 $0x88, s6;
	s7 =	simm.s32 @p2 $0x1082  }
0x22: {  	[simem:s7], [sflag:s8] =	dma.local @!p0 [hbm:s6], $0xF7A  }
0x23: {  	s9 =	sor.u32 $0xD0000000, s2;
	s6 =	simm.s32 $0x108;
	_ =	swait.ge @!p0 [sflag:s8], $0x0  }
0x24: {  	s3 =	sadd.s32 $0x88, s3;
	s6 =	simm.s32 @!p1 $0x1082;
	[sflag:s4] =	ssyncset.s32 $0xFFFFF086  }
0x25: {  	[simem:s6], [sflag:s4] =	dma.local [hbm:s3], $0xF7A  }
0x26: {  	[smem:$0x3F99] =	sst s1;
	(tag) =	ssettag s2;
	_ =	strace s9  }
0x27: {  	s1 =	sld [smem:$0x3FA9]  }
0x28: {  	s2 =	sld [smem:$0x3FAA]  }
0x29: {  	s4 =	sld [smem:$0x3FAC]  }
0x2a: {  	p0 =	seq.s32 s5, $0x0;
	s5 =	sld [smem:$0x3FAD]  }
0x2b: {  	s6 =	sld [smem:$0x3FAE]  }
0x2c: {  	s7 =	sld [smem:$0x3FAF]  }
0x2d: {  	s3 =	simm.s32 $0x108;
	s8 =	sld [smem:$0x3FB0]  }
0x2e: {  	s3 =	simm.s32 @!p0 $0x1082;
	s9 =	sld [smem:$0x3FB1]  }
0x2f: {  	lr =	sadd.s32 s0, s3;
	s0 =	sld [smem:$0x3FA8]  }
0x30: {  	s3 =	sld [smem:$0x3FAB]  }
0x31: {  	[smem:$0x3FB4] =	sst s10  }
0x32: {  	s10 =	sld [smem:$0x3FB2];
	_ =	sdelay $0x3  }
0x33: {  	p0 =	seq.s32 s10, $0x1;
	s10 =	sld [smem:$0x3FB4];
	_ =	sdelay $0x3  }
0x34: {  	[smem:$0x3FB4] =	sst s10  }
0x35: {  	s10 =	sld [smem:$0x3FB3];
	_ =	sdelay $0x3  }
0x36: {  	p1 =	seq.s32 s10, $0x1;
	s10 =	sld [smem:$0x3FB4];
	_ =	sdelay $0x3  }
0x37: {  	[smem:$0x3FB4] =	sst s10  }
0x38: {  	s10 =	sld [smem:$0x3FB5]  }
0x39: {  	_ = 	snop;
	(pc) =	sbr.ind lr, $3  }
0x3a: {  	_ = 	snop  }
0x3b: {  	_ = 	snop  }
0x3c: {  	p2 =	seq.s32 s10, $0x1;
	s10 =	sld [smem:$0x3FB4]  }
0x3d: {  	_ =	shalt  }
0x3e: {  	_ =	shalt  }
0x3f: {  	_ =	shalt  }
0x40: {  	_ =	shalt  }
0x41: {  	_ =	shalt  }
0x42: {  	_ =	shalt  }
0x43: {  	_ =	shalt  }
0x44: {  	_ =	shalt  }
0x45: {  	_ =	shalt  }
0x46: {  	_ =	shalt  }
0x47: {  	_ =	shalt  }
0x48: {  	_ =	shalt  }
0x49: {  	_ =	shalt  }
0x4a: {  	_ =	shalt  }
0x4b: {  	_ =	shalt  }
0x4c: {  	_ =	shalt  }
0x4d: {  	_ =	shalt  }
0x4e: {  	_ =	shalt  }
0x4f: {  	_ =	shalt  }
0x50: {  	_ =	shalt  }
0x51: {  	_ =	shalt  }
0x52: {  	_ =	shalt  }
0x53: {  	_ =	shalt  }
0x54: {  	_ =	shalt  }
0x55: {  	_ =	shalt  }
0x56: {  	_ =	shalt  }
0x57: {  	_ =	shalt  }
0x58: {  	_ =	shalt  }
0x59: {  	_ =	shalt  }
0x5a: {  	_ =	shalt  }
0x5b: {  	_ =	shalt  }
0x5c: {  	_ =	shalt  }
0x5d: {  	_ =	shalt  }
0x5e: {  	_ =	shalt  }
0x5f: {  	_ =	shalt  }
0x60: {  	_ =	shalt  }
0x61: {  	_ =	shalt  }
0x62: {  	_ =	shalt  }
0x63: {  	_ =	shalt  }
0x64: {  	_ =	shalt  }
0x65: {  	_ =	shalt  }
0x66: {  	_ =	shalt  }
0x67: {  	_ =	shalt  }
0x68: {  	_ =	shalt  }
0x69: {  	_ =	shalt  }
0x6a: {  	_ =	shalt  }
0x6b: {  	_ =	shalt  }
0x6c: {  	_ =	shalt  }
0x6d: {  	_ =	shalt  }
0x6e: {  	_ =	shalt  }
0x6f: {  	_ =	shalt  }
0x70: {  	_ =	shalt  }
0x71: {  	_ =	shalt  }
0x72: {  	_ =	shalt  }
0x73: {  	_ =	shalt  }
0x74: {  	_ =	shalt  }
0x75: {  	_ =	shalt  }
0x76: {  	_ =	shalt  }
0x77: {  	_ =	shalt  }
0x78: {  	_ =	shalt  }
0x79: {  	_ =	shalt  }
0x7a: {  	_ =	shalt  }
0x7b: {  	_ =	shalt  }
0x7c: {  	_ =	shalt  }
0x7d: {  	_ =	shalt  }
0x7e: {  	_ =	shalt  }
0x7f: {  	_ =	shalt  }
0x80: {  	_ =	shalt  }
0x81: {  	_ =	shalt  }
0x82: {  	_ =	shalt  }
0x83: {  	_ =	shalt  }
0x84: {  	_ =	shalt  }
0x85: {  	_ =	shalt  }
0x86: {  	_ =	shalt  }
0x87: {  	_ =	shalt  }
.Lfunc_end0:
.L_simem_size_0:
called_computation.2_lowered:
.L_overlay_start_0:
0x88: {  	s2 =	sld [smem:$0x3FD9]  }
0x89: {  	s3 =	sld [smem:$0x3FFE];
	_ =	sdelay $0x1  }
0x8a: {  	s1 =	srdreg.scid  }
0x8b: {  	s0 =	sand.u32 $0x1, s1  }
0x8c: {  	s17 =	sshll.u32 s0, $0xA;
	s2 =	sadd.s32 s3, s2  }
0x8d: {  	s2 =	sadd.s32 s2, s17  }
0x8e: {  	[smem:$0x3FC0] =	sst s2  }
0x8f: {  	_ = 	snop  }
0x90: {  	s2 =	sld [smem:$0x3FD0];
	(tm) =	ssettm $0x1  }
0x91: {  	s18 =	sld [smem:$0x3FFB];
	_ =	sdelay $0x3  }
0x92: {  	_ =	strace s18  }
0x93: {  	s3 =	sld [smem:$0x3FFC];
	_ =	sdelay $0x3  }
0x94: {  	_ =	strace s3  }
0x95: {  	s3 =	sld [smem:$0x3FFD];
	_ =	sdelay $0x3  }
0x96: {  	_ =	strace s3  }
0x97: {  	_ =	strace $0x8FFFFFFF  }
0x98: {  	s19 =	sld [smem:$0x3FDB];
	_ =	sdelay $0x1  }
0x99: {  	s4 =	simm.s32 $_scs_section_size  }
0x9a: {  	s5 =	simm.s32 $_size__tile_overlayer_lowered;
	s6 =	simm.s32 $_tile_overlayer_lowered  }
0x9b: {  	s22 =	simm.s32 $0x1BFF;
	s21 =	sshll.u32 s6, $0x1;
	s3 =	sadd.s32 s4, s19  }
0x9c: {  	s7 =	simm.s32 $0x0;
	s20 =	sshll.u32 s5, $0x1;
	s5 =	sadd.s32 s21, s3  }
0x9d: {  	[timem:s7], [sflag:s22] =	dma.local [hbm:s5], s20  }
0x9e: {  	_ =	swait.ge [sflag:s22], s20  }
0x9f: {  	s4 =	ssub.s32 $0x0, s20;
	[sflag:s22] =	ssyncset.done $0x0  }
0xa0: {  	[sflag:s22] =	ssyncadd.s32 s4;
	_ =	sdelay $0x1  }
0xa1: {  	s23 =	simm.s32 $0x1B8B  }
0xa2: {  	_ =	swait.ge [sflag:s23], $0x1  }
0xa3: {  	[sflag:s23] =	ssyncset.done $0x0  }
0xa4: {  	s25 =	simm.s32 $0x1B8E;
	s24 =	sld [smem:$0x3FFE];
	[sflag:s23] =	ssyncadd.s32 $0xFFFFFFFF  }
0xa5: {  	s26 =	simm.s32 $execute0_lowered;
	[smem:$0x3FD2] =	sst s25  }
0xa6: {  	s5 =	sshll.u32 s26, $0x1;
	_ =	strace $0x8000004C;
	[dreg:$0x1] =	wrdreg $0xFFFFFFFF  }
0xa7: {  	s28 =	simm.s32 $_size_execute0_lowered;
	s3 =	sadd.s32 s3, s5;
	[dreg:$0x0] =	wrdreg $0x0  }
0xa8: {  	s5 =	sshll.u32 s28, $0x1;
	[dreg:$0x2] =	wrdreg s3  }
0xa9: {  	[dreg:$0x3] =	wrdreg s5  }
0xaa: {  	[dreg:$0x4] =	wrdreg $0xC0  }
0xab: {  	_ =	task [dreg:s7], $0x5FFFF  }
0xac: {  	[dreg:$0x1] =	wrdreg $0xFFFFFFFF  }
0xad: {  	[dreg:$0x0] =	wrdreg $0x60  }
0xae: {  	[dreg:$0x2] =	wrdreg s24  }
0xaf: {  	[dreg:$0x3] =	wrdreg s2  }
0xb0: {  	[dreg:$0x4] =	wrdreg $0x41000  }
0xb1: {  	[dreg:$0x5] =	wrdreg $0x91000  }
0xb2: {  	[dreg:$0x6] =	wrdreg $0x9  }
0xb3: {  	_ =	task.clear_ibuf [dreg:s7], $0x7FFFF;
	_ =	strace $0x9000004C  }
0xb4: {  	s29 =	simm.s32 $0x9;
	_ =	strace $0x8000004E  }
0xb5: {  	_ =	swait.ge [sflag:s29], $0x1  }
0xb6: {  	[sflag:s29] =	ssyncadd.s32 $0xFFFFFFFF  }
0xb7: {  	_ =	strace $0x9000004E  }
0xb8: {  	_ =	sfence  }
0xb9: {  	s30 =	sld [smem:$0x0];
	_ =	sdelay $0x2  }
0xba: {  	s31 =	sshll.u32 s1, $0xD;
	s1 =	sshrl.u32 s1, $0x2  }
0xbb: {  	s3 =	sand.u32 $0x4000, s31;
	s1 =	sadd.s32 s1, s30  }
0xbc: {  	s0 =	sor.u32 s3, s0;
	s1 =	sshll.u32 s1, $0x11  }
0xbd: {  	s0 =	sor.u32 s1, s0  }
0xbe: {  	s0 =	sadd.s32 $0x8F2B, s0  }
0xbf: {  	[sflag:s0] =	ssyncadd.remote.s32 $0x1  }
0xc0: {  	_ =	sfence.sel $0xFFFF  }
0xc1: {  	[dreg:$0x0] =	wrdreg $0xFFFFFFFF;
	(pc) =	sbr.abs _section_cstart, $3  }
0xc2: {  	[dreg:$0x1] =	wrdreg $0xFFFFFFFF  }
0xc3: {  	_ =	task.clear_ibuf [dreg:s7], $0x2FFFF;
	_ =	strace $0x9FFFFFFF  }
0xc4: {  	(tm) =	ssettm $0x7FFFFFFF  }
0xc5: {  	_ =	shalt  }
tec
execute0_lowered:
.L_overlay_start_1:
0x0: {  	(tag) =	ssettag $0x1  }
0x1: {  	s7 =	rddreg [dreg:$0x0]  }
0x2: {  	s2 =	rddreg [dreg:$0x1]  }
0x3: {  	s3 =	rddreg [dreg:$0x2]  }
0x4: {  	s4 =	rddreg [dreg:$0x3]  }
0x5: {  	s0 =	rddreg [dreg:$0x4];
	s1 =	stileid.u32  }
0x6: {  	s6 =	srdreg.scid;
	s5 =	simm.s32 $0x0;
	s18 =	smul.u32 $0x2800, s1  }
0x7: {  	s17 =	simm.s32 $0x1;
	s9 =	sand.u32 $0x1, s6;
	s11 =	smul.u32 $0x14000, s1  }
0x8: {  	[smem:$0x7FF] =	sst s5;
	s6 =	sadd.s32 $0x2C00, s7;
	s15 =	smul.u32 $0xA00, s1  }
0x9: {  	s30 =	sshll.u32 s1, $0x6;
	s8 =	smul.u32 $0x28000, s9;
	_ =	strace $0x8000004D  }
0xa: {  	s10 =	ssub.s32 $0x2, s9;
	s31 =	smul.u32 $0x500, s9;
	s12 =	sadd.s32 s18, s7  }
0xb: {  	s13 =	sshrl.u32 s10, $0x1;
	s29 =	sadd.s32 s11, s3;
	s16 =	sadd.s32 s11, s4  }
0xc: {  	s14 =	sadd.s32 s8, s7;
	s10 =	ssub.s32 s10, s13;
	s7 =	sadd.s32 $0x34C00, s12  }
0xd: {  	s8 =	sor.u32 $0x1C02, s30;
	s9 =	sadd.s32 $0xCC00, s12;
	s11 =	sadd.s32 s31, s15  }
0xe: {  	s12 =	sshrl.u32 s29, $0x3;
	s13 =	simm.s32 $0x2;
	s15 =	simm.s32 $0x80  }
0xf: {  	s19 =	sadd.s32 $0x5CC00, s14;
	s10 =	smax.u32 s10, $0x1;
	s14 =	sshrl.u32 s16, $0x3  }
0x10: {  	s16 =	simm.s32 $0x100;
	s18 =	sadd.s32 s18, s19;
	s19 =	simm.s32 $0x0  }
.LBB2_1:
0x11: {  	[spmem:s12], [sflag:s8] =	dma.local [hbm:s7], $0x2800  }
0x12: {  	_ =	swait.ge [sflag:s13], $0x2800  }
0x13: {  	[sflag:s13] =	ssyncset.done $0x0  }
0x14: {  	[sflag:s13] =	ssyncadd.s32 $0xFFFFD800  }
0x15: {  	[spmem:s14], [sflag:s8] =	dma.local [hbm:s9], $0x2800  }
0x16: {  	s20 =	sadd.s32 $0x0, s11;
	_ =	swait.ge [sflag:s13], $0x2800  }
0x17: {  	s21 =	sand.u32 $0x70, s5;
	s20 =	sand.u32 $0xFFFFF80, s20;
	[sflag:s13] =	ssyncset.done $0x0  }
0x18: {  	s20 =	sor.u32 s21, s20;
	[sflag:s13] =	ssyncadd.s32 $0xFFFFD800  }
0x19: {  	s21 =	sadd.s32 s6, s20;
	[bflag:$0x0] =	sbarrier.arrive $0xFFFF  }
0x1a: {  	[tilespmem:s5], [sflag:$0x2] =	stream.linear.gather [hbm4b:s21+s5], $0x80, $0x38;
	[tilespmem:$0xE100] =	vst v63  }
0x1b: {  	_ =	swait.ge [sflag:s13], $0x80  }
0x1c: {  	[sflag:s13] =	ssyncset.done $0x0  }
0x1d: {  	s20 =	sadd.s32 s2, s20;
	[sflag:s13] =	ssyncadd.s32 $0xFFFFFF80  }
0x1e: {  	[tilespmem:s15], [sflag:$0x2] =	stream.linear.gather [hbm4b:s20+s5], $0x80, $0x38;
	[tilespmem:$0xE100] =	vst v63  }
0x1f: {  	_ =	swait.ge [sflag:s13], $0x80  }
0x20: {  	[sflag:s13] =	ssyncset.done $0x0  }
0x21: {  	[sflag:s13] =	ssyncadd.s32 $0xFFFFFF80  }
0x22: {  	[tilespmem:s16], [sflag:$0x1] =	stream.indirect.gather [spmem:s4], $0x20, s5, s15, $0xb8;
	[tilespmem:$0xE100] =	vst v63  }
0x23: {  	_ =	swait.ge [sflag:s17], $0x1000  }
0x24: {  	[sflag:s17] =	ssyncset.done $0x0  }
0x25: {  	[sflag:s17] =	ssyncadd.s32 $0xFFFFF000  }
0x26: {  	s30 =	simm.s32 $0x10;
	s31 =	sadd.s32 $0x10, s11;
	[bflag:$0x0] =	sbarrier.arrive $0xFFFF  }
0x27: {  	[spmem:s3] =	stream.indirect.scatter.add.f32 [tilespmem:s16], [sflag:$0x2], $0x20, s15, s15, $0xb8;
	[tilespmem:$0xE100] =	vst v63  }
0x28: {  	s22 =	sand.u32 $0xFFFFF80, s31;
	s20 =	sand.u32 $0x70, s30;
	_ =	swait.ge [sflag:s13], $0x1000  }
0x29: {  	s21 =	simm.s32 $0x20;
	s20 =	sor.u32 s20, s22;
	[sflag:s13] =	ssyncset.done $0x0  }
.LBB2_2:
0x2a: {  	s22 =	sadd.s32 s6, s20  }
0x2b: {  	[sflag:s13] =	ssyncadd.s32 $0xFFFFF000;
	s23 =	smov.u32 s21;
	s24 =	sadd.s32 $0x10, s21  }
0x2c: {  	[tilespmem:s5], [sflag:$0x2] =	stream.linear.gather [hbm4b:s22+s5], $0x80, $0x38;
	[tilespmem:$0xE100] =	vst v63  }
0x2d: {  	p0 =	sne.s32 s21, $0x4F0;
	_ =	swait.ge [sflag:s13], $0x80  }
0x2e: {  	[sflag:s13] =	ssyncset.done $0x0  }
0x2f: {  	s20 =	sadd.s32 s2, s20;
	[sflag:s13] =	ssyncadd.s32 $0xFFFFFF80  }
0x30: {  	[tilespmem:s15], [sflag:$0x2] =	stream.linear.gather [hbm4b:s20+s5], $0x80, $0x38;
	[tilespmem:$0xE100] =	vst v63  }
0x31: {  	_ =	swait.ge [sflag:s13], $0x80  }
0x32: {  	[sflag:s13] =	ssyncset.done $0x0  }
0x33: {  	[sflag:s13] =	ssyncadd.s32 $0xFFFFFF80  }
0x34: {  	[tilespmem:s16], [sflag:$0x1] =	stream.indirect.gather [spmem:s4], $0x20, s5, s15, $0xb8;
	[tilespmem:$0xE100] =	vst v63  }
0x35: {  	_ =	swait.ge [sflag:s17], $0x1000  }
0x36: {  	[sflag:s17] =	ssyncset.done $0x0  }
.Ltmp0:
0x37: {  	[sflag:s17] =	ssyncadd.s32 $0xFFFFF000;
	(pc) =	sbr.rel @p0 .LBB2_2-.Ltmp0, $4  }
0x38: {  	s20 =	sadd.s32 s23, s11;
	[bflag:$0x0] =	sbarrier.arrive $0xFFFF  }
0x39: {  	[spmem:s3] =	stream.indirect.scatter.add.f32 [tilespmem:s16], [sflag:$0x2], $0x20, s15, s15, $0xb8;
	[tilespmem:$0xE100] =	vst v63  }
0x3a: {  	s21 =	sand.u32 $0x70, s23;
	s20 =	sand.u32 $0xFFFFF80, s20;
	_ =	swait.ge [sflag:s13], $0x1000  }
0x3b: {  	s20 =	sor.u32 s21, s20;
	s21 =	smov.u32 s24;
	[sflag:s13] =	ssyncset.done $0x0  }
0x3c: {  	s21 =	sadd.s32 s6, s20;
	[sflag:s13] =	ssyncadd.s32 $0xFFFFF000  }
0x3d: {  	[tilespmem:s5], [sflag:$0x2] =	stream.linear.gather [hbm4b:s21+s5], $0x80, $0x38;
	[tilespmem:$0xE100] =	vst v63  }
0x3e: {  	_ =	swait.ge [sflag:s13], $0x80  }
0x3f: {  	[sflag:s13] =	ssyncset.done $0x0  }
0x40: {  	s31 =	sadd.s32 s2, s20;
	[sflag:s13] =	ssyncadd.s32 $0xFFFFFF80  }
0x41: {  	[tilespmem:s15], [sflag:$0x2] =	stream.linear.gather [hbm4b:s31+s5], $0x80, $0x38;
	[tilespmem:$0xE100] =	vst v63  }
0x42: {  	_ =	swait.ge [sflag:s13], $0x80  }
0x43: {  	[sflag:s13] =	ssyncset.done $0x0  }
0x44: {  	[sflag:s13] =	ssyncadd.s32 $0xFFFFFF80  }
0x45: {  	[tilespmem:s16], [sflag:$0x1] =	stream.indirect.gather [spmem:s4], $0x20, s5, s15, $0xb8;
	[tilespmem:$0xE100] =	vst v63  }
0x46: {  	_ =	swait.ge [sflag:s17], $0x1000  }
0x47: {  	[sflag:s17] =	ssyncset.done $0x0  }
0x48: {  	[sflag:s17] =	ssyncadd.s32 $0xFFFFF000  }
0x49: {  	[bflag:$0x0] =	sbarrier.arrive $0xFFFF  }
0x4a: {  	[spmem:s3] =	stream.indirect.scatter.add.f32 [tilespmem:s16], [sflag:$0x2], $0x20, s15, s15, $0xb8;
	[tilespmem:$0xE100] =	vst v63  }
0x4b: {  	_ =	swait.ge [sflag:s13], $0x1000  }
0x4c: {  	s19 =	sadd.s32 $0x1, s19;
	[sflag:s13] =	ssyncset.done $0x0  }
0x4d: {  	p0 =	sne.s32 s19, s10;
	[sflag:s13] =	ssyncadd.s32 $0xFFFFF000  }
.Ltmp1:
0x4e: {  	[bflag:$0x0] =	sbarrier.arrive $0xFFFF;
	(pc) =	sbr.rel @p0 .LBB2_1-.Ltmp1, $4  }
0x4f: {  	[hbm:s18], [sflag:s8] =	dma.local [spmem:s12], $0x2800  }
0x50: {  	_ =	swait.ge [sflag:s13], $0x2800  }
0x51: {  	[sflag:s13] =	ssyncset.done $0x0  }
0x52: {  	[sflag:s13] =	ssyncadd.s32 $0xFFFFD800  }
0x53: {  	_ =	sfence.sel $0x180000  }
0x54: {  	[bflag:$0x0] =	sbarrier.arrive $0xFFFF  }
0x55: {  	p0 =	sne.s32 s1, $0x0;
	_ =	strace $0x9000004D  }
0x56: {  	s0 =	sadd.s32 @!p0 $0x100000, s0;
	[bflag:$0x2] =	sbarrier.arrive $0xFFFF  }
0x57: {  	[sflag:s0] =	ssyncadd.tile.s32 @!p0 $0x1;
	_ =	shalt  }
.Lfunc_end2:
_tile_overlayer_lowered:
.L_overlay_start_2:
0x58: {  	(tag) =	ssettag $0x2  }
0x59: {  	s0 =	rddreg [dreg:$0x0];
	s2 =	stileid.u32  }
0x5a: {  	s1 =	rddreg [dreg:$0x1];
	p0 =	sne.s32 s2, $0x0  }
0x5b: {  	s3 =	rddreg [dreg:$0x2];
	[bflag:$0x3] =	sbarrier.arrive $0xFFFF;
	s2 =	simm.s32 @!p0 $0x1C02  }
0x5c: {  	[timem:s3], [sflag:s2] =	dma.local @!p0 [hbm:s0], s1  }
0x5d: {  	s0 =	simm.s32 @!p0 $0x2  }
0x5e: {  	_ =	swait.ge @!p0 [sflag:s0], s1  }
0x5f: {  	s1 =	ssub.s32 @!p0 $0x0, s1;
	[sflag:s0] =	ssyncset.done @!p0 $0x0  }
0x60: {  	[sflag:s0] =	ssyncadd.s32 @!p0 s1  }
0x61: {  	[bflag:$0x3] =	sbarrier.arrive $0xFFFF  }
0x62: {  	_ =	shalt  }

// kernel: kernel.19.cloned.1.call-start
scs
__scs_entry_jumppad:
0x0: {  	(pc) =	sbr.rel $0x88, $3  }
0x1: {  	(tag) =	ssettag $0x0;
	lr =	simm.s32 $0x1  }
0x2: {  	[smem:$0x3F99] =	sst lr;
	_ =	strace $0xD0000000  }
0x3: {  	_ = 	snop  }
0x4: {  	_ = 	snop  }
0x5: {  	_ = 	snop  }
0x6: {  	_ = 	snop  }
0x7: {  	_ = 	snop  }
__scs_overlays_trampoline_lowered:
0x8: {  	[smem:$0x3FA8] =	sst s0  }
0x9: {  	[smem:$0x3FA9] =	sst s1  }
0xa: {  	[smem:$0x3FAA] =	sst s2  }
0xb: {  	[smem:$0x3FAB] =	sst s3  }
0xc: {  	[smem:$0x3FAC] =	sst s4  }
0xd: {  	[smem:$0x3FAD] =	sst s5  }
0xe: {  	[smem:$0x3FAE] =	sst s6  }
0xf: {  	[smem:$0x3FAF] =	sst s7  }
0x10: {  	[smem:$0x3FB0] =	sst s8  }
0x11: {  	[smem:$0x3FB1] =	sst s9;
	s0 =	simm.s32 @!p0 $0x0  }
0x12: {  	s1 =	sld [smem:$0x3F97];
	s0 =	simm.s32 @p0 $0x1  }
0x13: {  	[smem:$0x3FB2] =	sst s0;
	s0 =	simm.s32 @!p1 $0x0  }
0x14: {  	s2 =	sld [smem:$0x3F96];
	s0 =	simm.s32 @p1 $0x1  }
0x15: {  	[smem:$0x3FB3] =	sst s0;
	s0 =	simm.s32 @!p2 $0x0  }
0x16: {  	s3 =	sld [smem:$0x3FDB];
	s0 =	simm.s32 @p2 $0x1  }
0x17: {  	s4 =	simm.s32 $0x1BF5;
	[smem:$0x3FB5] =	sst s0  }
0x18: {  	s0 =	sld [smem:$0x3F98];
	_ =	swait.ge [sflag:s4], $0x0  }
0x19: {  	s7 =	sld [smem:$0x3F99]  }
0x1a: {  	s8 =	sadd.s32 $0xFFFFE003, lr  }
0x1b: {  	s9 =	sadd.s32 $0xFFFFFEF7, lr;
	s5 =	simm.s32 $0xFFFFFFFF;
	p2 =	slt.u32 s8, $0xFFFFF086  }
0x1c: {  	p1 =	slt.u32 s9, $0xF7A;
	s5 =	simm.s32 @!p2 $0x0  }
0x1d: {  	s5 =	simm.s32 @p1 $0x1;
	p0 =	seq.s32 s7, s2  }
0x1e: {  	s7 =	smul.u32 @!p0 $0xF7A, s2;
	p2 =	seq.s32 @!p0 s5, $0x0  }
0x1f: {  	s9 =	smul.u32 $0xF7A, s1;
	s8 =	simm.s32 @!p0 $0x1BF5;
	p2 =	por !p2, p0  }
0x20: {  	[sflag:s8] =	ssyncset.s32 @!p0 $0xFFFFF086;
	s6 =	sadd.s32 @!p0 s3, s7;
	s7 =	simm.s32 @!p0 $0x108  }
0x21: {  	s3 =	sadd.s32 s3, s9;
	s6 =	sadd.s32 @!p0 $0x88, s6;
	s7 =	simm.s32 @p2 $0x1082  }
0x22: {  	[simem:s7], [sflag:s8] =	dma.local @!p0 [hbm:s6], $0xF7A  }
0x23: {  	s9 =	sor.u32 $0xD0000000, s2;
	s6 =	simm.s32 $0x108;
	_ =	swait.ge @!p0 [sflag:s8], $0x0  }
0x24: {  	s3 =	sadd.s32 $0x88, s3;
	s6 =	simm.s32 @!p1 $0x1082;
	[sflag:s4] =	ssyncset.s32 $0xFFFFF086  }
0x25: {  	[simem:s6], [sflag:s4] =	dma.local [hbm:s3], $0xF7A  }
0x26: {  	[smem:$0x3F99] =	sst s1;
	(tag) =	ssettag s2;
	_ =	strace s9  }
0x27: {  	s1 =	sld [smem:$0x3FA9]  }
0x28: {  	s2 =	sld [smem:$0x3FAA]  }
0x29: {  	s4 =	sld [smem:$0x3FAC]  }
0x2a: {  	p0 =	seq.s32 s5, $0x0;
	s5 =	sld [smem:$0x3FAD]  }
0x2b: {  	s6 =	sld [smem:$0x3FAE]  }
0x2c: {  	s7 =	sld [smem:$0x3FAF]  }
0x2d: {  	s3 =	simm.s32 $0x108;
	s8 =	sld [smem:$0x3FB0]  }
0x2e: {  	s3 =	simm.s32 @!p0 $0x1082;
	s9 =	sld [smem:$0x3FB1]  }
0x2f: {  	lr =	sadd.s32 s0, s3;
	s0 =	sld [smem:$0x3FA8]  }
0x30: {  	s3 =	sld [smem:$0x3FAB]  }
0x31: {  	[smem:$0x3FB4] =	sst s10  }
0x32: {  	s10 =	sld [smem:$0x3FB2];
	_ =	sdelay $0x3  }
0x33: {  	p0 =	seq.s32 s10, $0x1;
	s10 =	sld [smem:$0x3FB4];
	_ =	sdelay $0x3  }
0x34: {  	[smem:$0x3FB4] =	sst s10  }
0x35: {  	s10 =	sld [smem:$0x3FB3];
	_ =	sdelay $0x3  }
0x36: {  	p1 =	seq.s32 s10, $0x1;
	s10 =	sld [smem:$0x3FB4];
	_ =	sdelay $0x3  }
0x37: {  	[smem:$0x3FB4] =	sst s10  }
0x38: {  	s10 =	sld [smem:$0x3FB5]  }
0x39: {  	_ = 	snop;
	(pc) =	sbr.ind lr, $3  }
0x3a: {  	_ = 	snop  }
0x3b: {  	_ = 	snop  }
0x3c: {  	p2 =	seq.s32 s10, $0x1;
	s10 =	sld [smem:$0x3FB4]  }
0x3d: {  	_ =	shalt  }
0x3e: {  	_ =	shalt  }
0x3f: {  	_ =	shalt  }
0x40: {  	_ =	shalt  }
0x41: {  	_ =	shalt  }
0x42: {  	_ =	shalt  }
0x43: {  	_ =	shalt  }
0x44: {  	_ =	shalt  }
0x45: {  	_ =	shalt  }
0x46: {  	_ =	shalt  }
0x47: {  	_ =	shalt  }
0x48: {  	_ =	shalt  }
0x49: {  	_ =	shalt  }
0x4a: {  	_ =	shalt  }
0x4b: {  	_ =	shalt  }
0x4c: {  	_ =	shalt  }
0x4d: {  	_ =	shalt  }
0x4e: {  	_ =	shalt  }
0x4f: {  	_ =	shalt  }
0x50: {  	_ =	shalt  }
0x51: {  	_ =	shalt  }
0x52: {  	_ =	shalt  }
0x53: {  	_ =	shalt  }
0x54: {  	_ =	shalt  }
0x55: {  	_ =	shalt  }
0x56: {  	_ =	shalt  }
0x57: {  	_ =	shalt  }
0x58: {  	_ =	shalt  }
0x59: {  	_ =	shalt  }
0x5a: {  	_ =	shalt  }
0x5b: {  	_ =	shalt  }
0x5c: {  	_ =	shalt  }
0x5d: {  	_ =	shalt  }
0x5e: {  	_ =	shalt  }
0x5f: {  	_ =	shalt  }
0x60: {  	_ =	shalt  }
0x61: {  	_ =	shalt  }
0x62: {  	_ =	shalt  }
0x63: {  	_ =	shalt  }
0x64: {  	_ =	shalt  }
0x65: {  	_ =	shalt  }
0x66: {  	_ =	shalt  }
0x67: {  	_ =	shalt  }
0x68: {  	_ =	shalt  }
0x69: {  	_ =	shalt  }
0x6a: {  	_ =	shalt  }
0x6b: {  	_ =	shalt  }
0x6c: {  	_ =	shalt  }
0x6d: {  	_ =	shalt  }
0x6e: {  	_ =	shalt  }
0x6f: {  	_ =	shalt  }
0x70: {  	_ =	shalt  }
0x71: {  	_ =	shalt  }
0x72: {  	_ =	shalt  }
0x73: {  	_ =	shalt  }
0x74: {  	_ =	shalt  }
0x75: {  	_ =	shalt  }
0x76: {  	_ =	shalt  }
0x77: {  	_ =	shalt  }
0x78: {  	_ =	shalt  }
0x79: {  	_ =	shalt  }
0x7a: {  	_ =	shalt  }
0x7b: {  	_ =	shalt  }
0x7c: {  	_ =	shalt  }
0x7d: {  	_ =	shalt  }
0x7e: {  	_ =	shalt  }
0x7f: {  	_ =	shalt  }
0x80: {  	_ =	shalt  }
0x81: {  	_ =	shalt  }
0x82: {  	_ =	shalt  }
0x83: {  	_ =	shalt  }
0x84: {  	_ =	shalt  }
0x85: {  	_ =	shalt  }
0x86: {  	_ =	shalt  }
0x87: {  	_ =	shalt  }
.Lfunc_end0:
.L_simem_size_0:
called_computation.3_lowered:
.L_overlay_start_0:
0x88: {  	s2 =	sld [smem:$0x3FD9]  }
0x89: {  	s3 =	sld [smem:$0x3FFE];
	_ =	sdelay $0x1  }
0x8a: {  	s1 =	srdreg.scid  }
0x8b: {  	s0 =	sand.u32 $0x1, s1  }
0x8c: {  	s17 =	sshll.u32 s0, $0xA;
	s2 =	sadd.s32 s3, s2  }
0x8d: {  	s2 =	sadd.s32 s2, s17  }
0x8e: {  	[smem:$0x3FC0] =	sst s2  }
0x8f: {  	_ = 	snop  }
0x90: {  	s2 =	sld [smem:$0x3FD0];
	(tm) =	ssettm $0x1  }
0x91: {  	s18 =	sld [smem:$0x3FFB];
	_ =	sdelay $0x3  }
0x92: {  	_ =	strace s18  }
0x93: {  	s3 =	sld [smem:$0x3FFC];
	_ =	sdelay $0x3  }
0x94: {  	_ =	strace s3  }
0x95: {  	s3 =	sld [smem:$0x3FFD];
	_ =	sdelay $0x3  }
0x96: {  	_ =	strace s3  }
0x97: {  	_ =	strace $0x8FFFFFFF  }
0x98: {  	s19 =	sld [smem:$0x3FDB];
	_ =	sdelay $0x1  }
0x99: {  	s4 =	simm.s32 $_scs_section_size  }
0x9a: {  	s5 =	simm.s32 $_size__tile_overlayer_lowered;
	s6 =	simm.s32 $_tile_overlayer_lowered  }
0x9b: {  	s22 =	simm.s32 $0x1BFF;
	s21 =	sshll.u32 s6, $0x1;
	s3 =	sadd.s32 s4, s19  }
0x9c: {  	s7 =	simm.s32 $0x0;
	s20 =	sshll.u32 s5, $0x1;
	s5 =	sadd.s32 s21, s3  }
0x9d: {  	[timem:s7], [sflag:s22] =	dma.local [hbm:s5], s20  }
0x9e: {  	_ =	swait.ge [sflag:s22], s20  }
0x9f: {  	s4 =	ssub.s32 $0x0, s20;
	[sflag:s22] =	ssyncset.done $0x0  }
0xa0: {  	[sflag:s22] =	ssyncadd.s32 s4;
	_ =	sdelay $0x1  }
0xa1: {  	s23 =	simm.s32 $0x1B8B  }
0xa2: {  	_ =	swait.ge [sflag:s23], $0x1  }
0xa3: {  	[sflag:s23] =	ssyncset.done $0x0  }
0xa4: {  	s25 =	simm.s32 $0x1B8E;
	s24 =	sld [smem:$0x3FFE];
	[sflag:s23] =	ssyncadd.s32 $0xFFFFFFFF  }
0xa5: {  	s26 =	simm.s32 $execute0_lowered;
	[smem:$0x3FD2] =	sst s25  }
0xa6: {  	s5 =	sshll.u32 s26, $0x1;
	_ =	strace $0x8000004F;
	[dreg:$0x1] =	wrdreg $0xFFFFFFFF  }
0xa7: {  	s28 =	simm.s32 $_size_execute0_lowered;
	s3 =	sadd.s32 s3, s5;
	[dreg:$0x0] =	wrdreg $0x0  }
0xa8: {  	s5 =	sshll.u32 s28, $0x1;
	[dreg:$0x2] =	wrdreg s3  }
0xa9: {  	[dreg:$0x3] =	wrdreg s5  }
0xaa: {  	[dreg:$0x4] =	wrdreg $0xC0  }
0xab: {  	_ =	task [dreg:s7], $0x5FFFF  }
0xac: {  	[dreg:$0x1] =	wrdreg $0xFFFFFFFF  }
0xad: {  	[dreg:$0x0] =	wrdreg $0x60  }
0xae: {  	[dreg:$0x2] =	wrdreg s24  }
0xaf: {  	[dreg:$0x3] =	wrdreg s2  }
0xb0: {  	[dreg:$0x4] =	wrdreg $0x41000  }
0xb1: {  	[dreg:$0x5] =	wrdreg $0x91000  }
0xb2: {  	[dreg:$0x6] =	wrdreg $0x9  }
0xb3: {  	_ =	task.clear_ibuf [dreg:s7], $0x7FFFF;
	_ =	strace $0x9000004F  }
0xb4: {  	s29 =	simm.s32 $0x9;
	_ =	strace $0x80000051  }
0xb5: {  	_ =	swait.ge [sflag:s29], $0x1  }
0xb6: {  	[sflag:s29] =	ssyncadd.s32 $0xFFFFFFFF  }
0xb7: {  	_ =	strace $0x90000051  }
0xb8: {  	_ =	sfence  }
0xb9: {  	s30 =	sld [smem:$0x0];
	_ =	sdelay $0x2  }
0xba: {  	s31 =	sshll.u32 s1, $0xD;
	s1 =	sshrl.u32 s1, $0x2  }
0xbb: {  	s3 =	sand.u32 $0x4000, s31;
	s1 =	sadd.s32 s1, s30  }
0xbc: {  	s0 =	sor.u32 s3, s0;
	s1 =	sshll.u32 s1, $0x11  }
0xbd: {  	s0 =	sor.u32 s1, s0  }
0xbe: {  	s0 =	sadd.s32 $0x8F2B, s0  }
0xbf: {  	[sflag:s0] =	ssyncadd.remote.s32 $0x1  }
0xc0: {  	_ =	sfence.sel $0xFFFF  }
0xc1: {  	[dreg:$0x0] =	wrdreg $0xFFFFFFFF;
	(pc) =	sbr.abs _section_cstart, $3  }
0xc2: {  	[dreg:$0x1] =	wrdreg $0xFFFFFFFF  }
0xc3: {  	_ =	task.clear_ibuf [dreg:s7], $0x2FFFF;
	_ =	strace $0x9FFFFFFF  }
0xc4: {  	(tm) =	ssettm $0x7FFFFFFF  }
0xc5: {  	_ =	shalt  }
tec
execute0_lowered:
.L_overlay_start_1:
0x0: {  	(tag) =	ssettag $0x1  }
0x1: {  	s7 =	rddreg [dreg:$0x0]  }
0x2: {  	s2 =	rddreg [dreg:$0x1]  }
0x3: {  	s3 =	rddreg [dreg:$0x2]  }
0x4: {  	s4 =	rddreg [dreg:$0x3]  }
0x5: {  	s0 =	rddreg [dreg:$0x4];
	s1 =	stileid.u32  }
0x6: {  	s6 =	srdreg.scid;
	s5 =	simm.s32 $0x0;
	s18 =	smul.u32 $0x2800, s1  }
0x7: {  	s17 =	simm.s32 $0x1;
	s9 =	sand.u32 $0x1, s6;
	s11 =	smul.u32 $0x14000, s1  }
0x8: {  	[smem:$0x7FF] =	sst s5;
	s6 =	sadd.s32 $0x2C00, s7;
	s15 =	smul.u32 $0xA00, s1  }
0x9: {  	s30 =	sshll.u32 s1, $0x6;
	s8 =	smul.u32 $0x28000, s9;
	_ =	strace $0x80000050  }
0xa: {  	s10 =	ssub.s32 $0x2, s9;
	s31 =	smul.u32 $0x500, s9;
	s12 =	sadd.s32 s18, s7  }
0xb: {  	s13 =	sshrl.u32 s10, $0x1;
	s29 =	sadd.s32 s11, s3;
	s16 =	sadd.s32 s11, s4  }
0xc: {  	s14 =	sadd.s32 s8, s7;
	s10 =	ssub.s32 s10, s13;
	s7 =	sadd.s32 $0x34C00, s12  }
0xd: {  	s8 =	sor.u32 $0x1C02, s30;
	s9 =	sadd.s32 $0xCC00, s12;
	s11 =	sadd.s32 s31, s15  }
0xe: {  	s12 =	sshrl.u32 s29, $0x3;
	s13 =	simm.s32 $0x2;
	s15 =	simm.s32 $0x80  }
0xf: {  	s19 =	sadd.s32 $0x5CC00, s14;
	s10 =	smax.u32 s10, $0x1;
	s14 =	sshrl.u32 s16, $0x3  }
0x10: {  	s16 =	simm.s32 $0x100;
	s18 =	sadd.s32 s18, s19;
	s19 =	simm.s32 $0x0  }
.LBB2_1:
0x11: {  	[spmem:s12], [sflag:s8] =	dma.local [hbm:s7], $0x2800  }
0x12: {  	_ =	swait.ge [sflag:s13], $0x2800  }
0x13: {  	[sflag:s13] =	ssyncset.done $0x0  }
0x14: {  	[sflag:s13] =	ssyncadd.s32 $0xFFFFD800  }
0x15: {  	[spmem:s14], [sflag:s8] =	dma.local [hbm:s9], $0x2800  }
0x16: {  	s20 =	sadd.s32 $0x0, s11;
	_ =	swait.ge [sflag:s13], $0x2800  }
0x17: {  	s21 =	sand.u32 $0x70, s5;
	s20 =	sand.u32 $0xFFFFF80, s20;
	[sflag:s13] =	ssyncset.done $0x0  }
0x18: {  	s20 =	sor.u32 s21, s20;
	[sflag:s13] =	ssyncadd.s32 $0xFFFFD800  }
0x19: {  	s21 =	sadd.s32 s6, s20;
	[bflag:$0x0] =	sbarrier.arrive $0xFFFF  }
0x1a: {  	[tilespmem:s5], [sflag:$0x2] =	stream.linear.gather [hbm4b:s21+s5], $0x80, $0x38;
	[tilespmem:$0xE100] =	vst v63  }
0x1b: {  	_ =	swait.ge [sflag:s13], $0x80  }
0x1c: {  	[sflag:s13] =	ssyncset.done $0x0  }
0x1d: {  	s20 =	sadd.s32 s2, s20;
	[sflag:s13] =	ssyncadd.s32 $0xFFFFFF80  }
0x1e: {  	[tilespmem:s15], [sflag:$0x2] =	stream.linear.gather [hbm4b:s20+s5], $0x80, $0x38;
	[tilespmem:$0xE100] =	vst v63  }
0x1f: {  	_ =	swait.ge [sflag:s13], $0x80  }
0x20: {  	[sflag:s13] =	ssyncset.done $0x0  }
0x21: {  	[sflag:s13] =	ssyncadd.s32 $0xFFFFFF80  }
0x22: {  	[tilespmem:s16], [sflag:$0x1] =	stream.indirect.gather [spmem:s4], $0x20, s5, s15, $0xb8;
	[tilespmem:$0xE100] =	vst v63  }
0x23: {  	_ =	swait.ge [sflag:s17], $0x1000  }
0x24: {  	[sflag:s17] =	ssyncset.done $0x0  }
0x25: {  	[sflag:s17] =	ssyncadd.s32 $0xFFFFF000  }
0x26: {  	s30 =	simm.s32 $0x10;
	s31 =	sadd.s32 $0x10, s11;
	[bflag:$0x0] =	sbarrier.arrive $0xFFFF  }
0x27: {  	[spmem:s3] =	stream.indirect.scatter.add.f32 [tilespmem:s16], [sflag:$0x2], $0x20, s15, s15, $0xb8;
	[tilespmem:$0xE100] =	vst v63  }
0x28: {  	s22 =	sand.u32 $0xFFFFF80, s31;
	s20 =	sand.u32 $0x70, s30;
	_ =	swait.ge [sflag:s13], $0x1000  }
0x29: {  	s21 =	simm.s32 $0x20;
	s20 =	sor.u32 s20, s22;
	[sflag:s13] =	ssyncset.done $0x0  }
.LBB2_2:
0x2a: {  	s22 =	sadd.s32 s6, s20  }
0x2b: {  	[sflag:s13] =	ssyncadd.s32 $0xFFFFF000;
	s23 =	smov.u32 s21;
	s24 =	sadd.s32 $0x10, s21  }
0x2c: {  	[tilespmem:s5], [sflag:$0x2] =	stream.linear.gather [hbm4b:s22+s5], $0x80, $0x38;
	[tilespmem:$0xE100] =	vst v63  }
0x2d: {  	p0 =	sne.s32 s21, $0x4F0;
	_ =	swait.ge [sflag:s13], $0x80  }
0x2e: {  	[sflag:s13] =	ssyncset.done $0x0  }
0x2f: {  	s20 =	sadd.s32 s2, s20;
	[sflag:s13] =	ssyncadd.s32 $0xFFFFFF80  }
0x30: {  	[tilespmem:s15], [sflag:$0x2] =	stream.linear.gather [hbm4b:s20+s5], $0x80, $0x38;
	[tilespmem:$0xE100] =	vst v63  }
0x31: {  	_ =	swait.ge [sflag:s13], $0x80  }
0x32: {  	[sflag:s13] =	ssyncset.done $0x0  }
0x33: {  	[sflag:s13] =	ssyncadd.s32 $0xFFFFFF80  }
0x34: {  	[tilespmem:s16], [sflag:$0x1] =	stream.indirect.gather [spmem:s4], $0x20, s5, s15, $0xb8;
	[tilespmem:$0xE100] =	vst v63  }
0x35: {  	_ =	swait.ge [sflag:s17], $0x1000  }
0x36: {  	[sflag:s17] =	ssyncset.done $0x0  }
.Ltmp0:
0x37: {  	[sflag:s17] =	ssyncadd.s32 $0xFFFFF000;
	(pc) =	sbr.rel @p0 .LBB2_2-.Ltmp0, $4  }
0x38: {  	s20 =	sadd.s32 s23, s11;
	[bflag:$0x0] =	sbarrier.arrive $0xFFFF  }
0x39: {  	[spmem:s3] =	stream.indirect.scatter.add.f32 [tilespmem:s16], [sflag:$0x2], $0x20, s15, s15, $0xb8;
	[tilespmem:$0xE100] =	vst v63  }
0x3a: {  	s21 =	sand.u32 $0x70, s23;
	s20 =	sand.u32 $0xFFFFF80, s20;
	_ =	swait.ge [sflag:s13], $0x1000  }
0x3b: {  	s20 =	sor.u32 s21, s20;
	s21 =	smov.u32 s24;
	[sflag:s13] =	ssyncset.done $0x0  }
0x3c: {  	s21 =	sadd.s32 s6, s20;
	[sflag:s13] =	ssyncadd.s32 $0xFFFFF000  }
0x3d: {  	[tilespmem:s5], [sflag:$0x2] =	stream.linear.gather [hbm4b:s21+s5], $0x80, $0x38;
	[tilespmem:$0xE100] =	vst v63  }
0x3e: {  	_ =	swait.ge [sflag:s13], $0x80  }
0x3f: {  	[sflag:s13] =	ssyncset.done $0x0  }
0x40: {  	s31 =	sadd.s32 s2, s20;
	[sflag:s13] =	ssyncadd.s32 $0xFFFFFF80  }
0x41: {  	[tilespmem:s15], [sflag:$0x2] =	stream.linear.gather [hbm4b:s31+s5], $0x80, $0x38;
	[tilespmem:$0xE100] =	vst v63  }
0x42: {  	_ =	swait.ge [sflag:s13], $0x80  }
0x43: {  	[sflag:s13] =	ssyncset.done $0x0  }
0x44: {  	[sflag:s13] =	ssyncadd.s32 $0xFFFFFF80  }
0x45: {  	[tilespmem:s16], [sflag:$0x1] =	stream.indirect.gather [spmem:s4], $0x20, s5, s15, $0xb8;
	[tilespmem:$0xE100] =	vst v63  }
0x46: {  	_ =	swait.ge [sflag:s17], $0x1000  }
0x47: {  	[sflag:s17] =	ssyncset.done $0x0  }
0x48: {  	[sflag:s17] =	ssyncadd.s32 $0xFFFFF000  }
0x49: {  	[bflag:$0x0] =	sbarrier.arrive $0xFFFF  }
0x4a: {  	[spmem:s3] =	stream.indirect.scatter.add.f32 [tilespmem:s16], [sflag:$0x2], $0x20, s15, s15, $0xb8;
	[tilespmem:$0xE100] =	vst v63  }
0x4b: {  	_ =	swait.ge [sflag:s13], $0x1000  }
0x4c: {  	s19 =	sadd.s32 $0x1, s19;
	[sflag:s13] =	ssyncset.done $0x0  }
0x4d: {  	p0 =	sne.s32 s19, s10;
	[sflag:s13] =	ssyncadd.s32 $0xFFFFF000  }
.Ltmp1:
0x4e: {  	[bflag:$0x0] =	sbarrier.arrive $0xFFFF;
	(pc) =	sbr.rel @p0 .LBB2_1-.Ltmp1, $4  }
0x4f: {  	[hbm:s18], [sflag:s8] =	dma.local [spmem:s12], $0x2800  }
0x50: {  	_ =	swait.ge [sflag:s13], $0x2800  }
0x51: {  	[sflag:s13] =	ssyncset.done $0x0  }
0x52: {  	[sflag:s13] =	ssyncadd.s32 $0xFFFFD800  }
0x53: {  	_ =	sfence.sel $0x180000  }
0x54: {  	[bflag:$0x0] =	sbarrier.arrive $0xFFFF  }
0x55: {  	p0 =	sne.s32 s1, $0x0;
	_ =	strace $0x90000050  }
0x56: {  	s0 =	sadd.s32 @!p0 $0x100000, s0;
	[bflag:$0x2] =	sbarrier.arrive $0xFFFF  }
0x57: {  	[sflag:s0] =	ssyncadd.tile.s32 @!p0 $0x1;
	_ =	shalt  }
.Lfunc_end2:
_tile_overlayer_lowered:
.L_overlay_start_2:
0x58: {  	(tag) =	ssettag $0x2  }
0x59: {  	s0 =	rddreg [dreg:$0x0];
	s2 =	stileid.u32  }
0x5a: {  	s1 =	rddreg [dreg:$0x1];
	p0 =	sne.s32 s2, $0x0  }
0x5b: {  	s3 =	rddreg [dreg:$0x2];
	[bflag:$0x3] =	sbarrier.arrive $0xFFFF;
	s2 =	simm.s32 @!p0 $0x1C02  }
0x5c: {  	[timem:s3], [sflag:s2] =	dma.local @!p0 [hbm:s0], s1  }
0x5d: {  	s0 =	simm.s32 @!p0 $0x2  }
0x5e: {  	_ =	swait.ge @!p0 [sflag:s0], s1  }
0x5f: {  	s1 =	ssub.s32 @!p0 $0x0, s1;
	[sflag:s0] =	ssyncset.done @!p0 $0x0  }
0x60: {  	[sflag:s0] =	ssyncadd.s32 @!p0 s1  }
0x61: {  	[bflag:$0x3] =	sbarrier.arrive $0xFFFF  }
0x62: {  	_ =	shalt  }

</sc_bundles>
